<compile_context>
chip_gen: v7x
topology: tpu7x:2x2x1
jax: 0.10.2.dev20260603
libtpu: 0.0.44.dev20260713+nightly
codegen_flags: <defaults>
</compile_context>

<pallas_src>
import jax
import jax.numpy as jnp
from jax import lax
from jax.experimental import pallas as pl
from jax.experimental.pallas import tpu as pltpu
from jax.experimental.pallas import tpu_sc as plsc

VOCAB = 1000000
SEQ = 8192
NSPIKE = 2730
NVREG = 171
NVREG_PAD = 172
SLICE = 62528
HALF = 31264
LAST_SIZE = 30816
LAST_OFF = 969184
GAIN_UP = 1.8
GAIN_DOWN = 0.6
KEY_TMASK = 1048575
INT_MAX = 2147483647
FILL_UNROLL = 8
FILL_ITERS = 245
SLICE_PAD = 62656
TOP_UNROLL = 4
PASS_UNROLL = 2


def _body(tok_hbm, out_hbm, toks, cells, spk, keys, cand_row, cand_all,
          vals18, cand_sh, bar):
    c = lax.axis_index("c")
    s = lax.axis_index("s")
    w = 2 * s + c
    lo = s * SLICE
    iota = lax.broadcasted_iota(jnp.int32, (16,), 0)

    @pl.when(s == 0)
    def _init_bar():
        bar[0] = 0
        bar[1] = 0

    def sw_barrier(slot):
        plsc.fetch_and_add(bar.at[slot], 1, subcore_id=0)

        def cond(v):
            return v < 16

        def poll(v):
            return plsc.fetch_and_add(bar.at[slot], 0, subcore_id=0)

        lax.while_loop(cond, poll, jnp.int32(0))

    pltpu.sync_copy(tok_hbm, toks)

    ones16f = jnp.ones((16,), jnp.float32)
    base_local = c * HALF

    @plsc.parallel_loop(0, FILL_ITERS * FILL_UNROLL, unroll=FILL_UNROLL)
    def fill_body(i):
        cells[pl.ds(base_local + i * 16, 16)] = ones16f

    def stage_body(i, carry):
        for u in range(PASS_UNROLL):
            j = i * PASS_UNROLL + u
            pos = jnp.minimum(48 * j + 3 * iota + 2, SEQ - 1)
            t = plsc.load_gather(toks, [pos])
            spk[pl.ds(j * 16, 16)] = t
            valid = (16 * j + iota) < NSPIKE
            rel = t - lo
            inr = valid & (rel >= 0) & (rel < SLICE)
            idx = jnp.where(inr, rel, 0)
            plsc.store_scatter(cells, [idx], ones16f, mask=inr)
        return carry

    lax.fori_loop(0, NVREG_PAD // PASS_UNROLL, stage_body, 0)

    def cnt_body(i, carry):
        for u in range(PASS_UNROLL):
            j = i * PASS_UNROLL + u
            t = spk[pl.ds(j * 16, 16)]
            valid = (16 * j + iota) < NSPIKE
            rel = t - lo
            inr = valid & (rel >= 0) & (rel < SLICE)
            idx = jnp.where(inr, rel, 0)
            plsc.addupdate_scatter(cells, [idx], ones16f, mask=inr)
        return carry

    lax.fori_loop(0, NVREG_PAD // PASS_UNROLL, cnt_body, 0)

    point6 = jnp.full((16,), GAIN_DOWN, jnp.float32)
    neg16 = jnp.full((16,), -1, jnp.int32)

    def key_body(i, m0):
        for u in range(PASS_UNROLL):
            j = i * PASS_UNROLL + u
            t = spk[pl.ds(j * 16, 16)]
            valid = (16 * j + iota) < NSPIKE
            rel = t - lo
            inr = valid & (rel >= 0) & (rel < SLICE)
            idx = jnp.where(inr, rel, 0)
            cnt = plsc.load_gather(cells, [idx]).astype(jnp.int32) - 1
            key = jnp.where(inr, (jnp.minimum(cnt, 2047) << 20)
                            | (KEY_TMASK - t), -1)
            keys[pl.ds(j * 16, 16)] = key
            plsc.store_scatter(cells, [idx], point6, mask=inr)
            m0 = jnp.maximum(m0, key)
        return m0

    m0 = lax.fori_loop(0, NVREG_PAD // PASS_UNROLL, key_body, neg16)

    best = jnp.max(m0)
    winners = jnp.where(iota == 0, best, neg16)
    prev = best
    for r in range(1, 5):
        def max_body(j, m, prev=prev):
            k = keys[pl.ds(j * 16, 16)]
            return jnp.maximum(m, jnp.where(k < prev, k, -1))

        m = plsc.parallel_loop(0, NVREG_PAD, unroll=TOP_UNROLL,
                               carry=neg16)(max_body)
        best = jnp.max(m)
        winners = jnp.where(iota == r, best, winners)
        prev = best

    cand_row[...] = winners
    pltpu.sync_copy(cand_row, cand_sh.at[pl.ds(s * 16, 16)])
    sw_barrier(0)

    glob_off = w * HALF

    @pl.when(w < 31)
    def _dma_full():
        pltpu.sync_copy(cells.at[pl.ds(base_local, HALF)],
                        out_hbm.at[pl.ds(glob_off, HALF)])

    @pl.when(w == 31)
    def _dma_last():
        pltpu.sync_copy(cells.at[pl.ds(HALF, LAST_SIZE)],
                        out_hbm.at[pl.ds(LAST_OFF, LAST_SIZE)])

    sw_barrier(1)

    pltpu.sync_copy(cand_sh, cand_all)

    gwin = neg16
    gprev = jnp.int32(INT_MAX)
    for r in range(5):
        def merge_body(row, m, gprev=gprev):
            k = cand_all[pl.ds(row * 16, 16)]
            return jnp.maximum(m, jnp.where(k < gprev, k, -1))

        gbest = jnp.max(lax.fori_loop(0, 16, merge_body, neg16))
        gwin = jnp.where(iota == r, gbest, gwin)
        gprev = gbest

    n = jnp.where(w == 31, LAST_SIZE, HALF)
    gvalid = gwin > 0
    tw = KEY_TMASK - (gwin & KEY_TMASK)
    in_half = gvalid & (tw >= glob_off) & (tw < glob_off + n)

    @pl.when(jnp.any(in_half))
    def _patch():
        fb = jnp.max(jnp.where(in_half, tw, -1))
        idx = jnp.where(in_half, tw, fb)
        vals18[...] = jnp.full((16,), GAIN_UP, jnp.float32)
        pltpu.sync_copy(vals18, out_hbm.at[idx])


_spiking_attention_sc = pl.kernel(
    _body,
    out_type=jax.ShapeDtypeStruct((VOCAB,), jnp.float32),
    mesh=plsc.VectorSubcoreMesh(core_axis_name="c", subcore_axis_name="s"),
    scratch_types=[
        pltpu.VMEM((SEQ,), jnp.int32),
        pltpu.VMEM((SLICE_PAD,), jnp.float32),
        pltpu.VMEM((NVREG_PAD * 16,), jnp.int32),
        pltpu.VMEM((NVREG_PAD * 16,), jnp.int32),
        pltpu.VMEM((16,), jnp.int32),
        pltpu.VMEM((256,), jnp.int32),
        pltpu.VMEM((16,), jnp.float32),
        pltpu.VMEM_SHARED((256,), jnp.int32),
        pltpu.SMEM((2,), jnp.int32),
    ],
    compiler_params=pltpu.CompilerParams(needs_layout_passes=False),
    name="spiking_attention_sc",
)


def kernel(token_ids, channel_weights):
    del channel_weights
    return _spiking_attention_sc(token_ids)

# --- scband reference (transcript-rebuilt; emitter-appended) ---
"""Pipeline reference for scband-multi-channel-spiking-attention-9234179687067 (READ-ONLY COPY).

The authoritative reference and input builder live on the scoring server;
editing this copy changes nothing except your own understanding.
"""

import jax, jax.numpy as jnp
import numpy as np

VOCAB = 1000000
K_WINNERS = 5
DECAY = 0.7
THRESHOLD = 1.0
GAIN_UP = 1.8
GAIN_DOWN = 0.6
SEQ = 8192


def lif_process(channel):
    # Leaky integrate-and-fire: membrane = decay*membrane + value; spike (count 1) when >= threshold, subtract threshold.
    def step(m, v):
        m = DECAY * m + v
        spike = m >= THRESHOLD
        m = jnp.where(spike, m - THRESHOLD, m)
        return m, spike.astype(jnp.float32)
    _, spikes = jax.lax.scan(step, jnp.float32(0.0), channel)
    return spikes  # float32[SEQ], 0/1 spike counts per position


def setup_inputs(seed: int = 0) -> dict:
    key = jax.random.key(seed)
    k1, k2 = jax.random.split(key)
    token_ids = jax.random.randint(k1, (SEQ,), 0, VOCAB, dtype=jnp.int32)
    # learned parameter: channel_weights initialized to ones (as in nn.Parameter(torch.ones(3)))
    channel_weights = jnp.ones((3,), dtype=jnp.float32)
    return {"token_ids": token_ids, "channel_weights": channel_weights}


def reference(token_ids, channel_weights):
    # text is None path: amp = pitch = 0.5 everywhere, boundary = 0
    seq_len = token_ids.shape[0]
    amp_data = jnp.full((seq_len,), 0.5, dtype=jnp.float32)
    pitch_data = jnp.full((seq_len,), 0.5, dtype=jnp.float32)
    bound_data = jnp.zeros((seq_len,), dtype=jnp.float32)

    amp_counts = lif_process(amp_data)      # spike count per position (0 or 1)
    pitch_counts = lif_process(pitch_data)
    bound_counts = lif_process(bound_data)

    w = jax.nn.softmax(channel_weights, axis=0)
    act_per_pos = w[0] * amp_counts + w[1] * pitch_counts + w[2] * bound_counts

    # token_activity: scatter-add per token id over the vocab
    activity = jnp.zeros((VOCAB,), dtype=jnp.float32).at[token_ids].add(act_per_pos)
    present = jnp.zeros((VOCAB,), dtype=bool).at[token_ids].set(True)

    # ranked_tokens over dict keys (present tokens) by descending activity; winners = top k_winners
    ranked_scores = jnp.where(present, activity, -jnp.inf)
    _, winner_idx = jax.lax.top_k(ranked_scores, K_WINNERS)
    winner_mask = jnp.zeros((VOCAB,), dtype=bool).at[winner_idx].set(True)

    # gains default 1.0; only tokens with activity > 0 are modified
    gains = jnp.where(activity > 0,
                      jnp.where(winner_mask, jnp.float32(GAIN_UP), jnp.float32(GAIN_DOWN)),
                      jnp.float32(1.0))
    return gains.astype(jnp.float32)

if __name__ == "__main__":
    import jax
    _d = setup_inputs()
    print(jax.jit(kernel)(*tuple(_d.values())))

</pallas_src>

<mosaic_0001>
#map = affine_map<(d0, d1) -> (0)>
module attributes {stable_mosaic.version = 14 : i64} {
  func.func @spiking_attention_sc(%arg0: i32, %arg1: i32, %arg2: memref<8192xi32, #tpu.memory_space<hbm>>, %arg3: memref<1000000xf32, #tpu.memory_space<hbm>>, %arg4: memref<8192xi32, #tpu.memory_space<vmem>>, %arg5: memref<62656xf32, #tpu.memory_space<vmem>>, %arg6: memref<2752xi32, #tpu.memory_space<vmem>>, %arg7: memref<2752xi32, #tpu.memory_space<vmem>>, %arg8: memref<16xi32, #tpu.memory_space<vmem>>, %arg9: memref<256xi32, #tpu.memory_space<vmem>>, %arg10: memref<16xf32, #tpu.memory_space<vmem>>, %arg11: memref<256xi32, #tpu.memory_space<vmem_shared>>, %arg12: memref<2xi32, #tpu.memory_space<smem>>) attributes {dimension_semantics = [#tpu.dimension_semantics<core_parallel>, #tpu.dimension_semantics<subcore_parallel>], iteration_bounds = array<i64: 2, 16>, scalar_prefetch = 0 : i64, scratch_operands = 9 : i64, tpu.core_type = #tpu.core_type<sc_vector_subcore>, window_params = [{transform_indices = #map}, {transform_indices = #map}]} {
    %mul3A = arith.constant 2 : i32
    %mul3A_0 = arith.muli %mul3A, %arg1 : i32
    %add3A = arith.addi %mul3A_0, %arg0 : i32
    %mul3A_1 = arith.constant 62528 : i32
    %mul3A_2 = arith.muli %arg1, %mul3A_1 : i32
    %iota3A = tpu.iota {dimensions = array<i32: 0>} : vector<16xi32>
    %eq3A = arith.constant 0 : i32
    %eq3A_3 = arith.cmpi eq, %arg1, %eq3A : i32
    %convert_element_type3A = arith.extui %eq3A_3 : i1 to i32
    %cond3A = arith.constant 0 : i32
    %cond3A_4 = arith.cmpi ne, %convert_element_type3A, %cond3A : i32
    scf.if %cond3A_4 {
      %swap3A_259 = arith.constant 0 : i32
      %swap3A_260 = arith.constant 0 : i32
      %swap3A_261 = arith.index_cast %swap3A_260 : i32 to index
      %swap3A_262 = memref.load %arg12[%swap3A_261] : memref<2xi32, #tpu.memory_space<smem>>
      memref.store %swap3A_259, %arg12[%swap3A_261] : memref<2xi32, #tpu.memory_space<smem>>
      %swap3A_263 = arith.constant 0 : i32
      %swap3A_264 = arith.constant 1 : i32
      %swap3A_265 = arith.index_cast %swap3A_264 : i32 to index
      %swap3A_266 = memref.load %arg12[%swap3A_265] : memref<2xi32, #tpu.memory_space<smem>>
      memref.store %swap3A_263, %arg12[%swap3A_265] : memref<2xi32, #tpu.memory_space<smem>>
    } else {
    }
    "tpu.region"() ({
      %run_scoped3A = tpu.sem_alloc : memref<!tpu.dma_semaphore, #tpu.memory_space<semaphore_mem>>
      tpu.enqueue_dma source(%arg2 : memref<8192xi32, #tpu.memory_space<hbm>>) target(%arg4 : memref<8192xi32, #tpu.memory_space<vmem>>) target_semaphore(%run_scoped3A : memref<!tpu.dma_semaphore, #tpu.memory_space<semaphore_mem>>)
      tpu.wait_dma2 semaphore(%run_scoped3A : memref<!tpu.dma_semaphore, #tpu.memory_space<semaphore_mem>>) src(%arg2 : memref<8192xi32, #tpu.memory_space<hbm>>) dst(%arg4 : memref<8192xi32, #tpu.memory_space<vmem>>)
      tpu.yield
    }) : () -> ()
    %broadcast_in_dim3A = arith.constant 1.000000e+00 : f32
    %broadcast_in_dim3A_5 = vector.broadcast %broadcast_in_dim3A : f32 to vector<16xf32>
    %mul3A_6 = arith.constant 31264 : i32
    %mul3A_7 = arith.muli %arg0, %mul3A_6 : i32
    %parallel_loop3A = arith.constant 0 : i32
    %parallel_loop3A_8 = arith.constant 1960 : i32
    %parallel_loop3A_9 = arith.constant 1 : i32
    scf.for %parallel_loop3A_259 = %parallel_loop3A to %parallel_loop3A_8 step %parallel_loop3A_9  : i32 {
      %parallel_loop3A_260 = arith.constant 16 : i32
      %parallel_loop3A_261 = arith.muli %parallel_loop3A_259, %parallel_loop3A_260 : i32
      %parallel_loop3A_262 = arith.addi %mul3A_7, %parallel_loop3A_261 : i32
      %parallel_loop3A_263 = arith.index_cast %parallel_loop3A_262 : i32 to index
      %parallel_loop3A_264 = tpu.vector_load %arg5[%parallel_loop3A_263] {strides = array<i32>} : memref<62656xf32, #tpu.memory_space<vmem>>, vector<16xf32>,
      tpu.vector_store %arg5[%parallel_loop3A_263], %broadcast_in_dim3A_5 {strides = array<i32>} : memref<62656xf32, #tpu.memory_space<vmem>>, vector<16xf32>,
    } {sc.loop_unroll_factor = 8 : i64, sc.parallel_access}
    %scan3A = arith.constant 0 : i32
    %scan3A_10 = arith.constant 0 : i32
    %scan3A_11 = arith.constant 86 : i32
    %scan3A_12 = arith.addi %scan3A_10, %scan3A_11 : i32
    %scan3A_13 = arith.constant 1 : i32
    scf.for %scan3A_259 = %scan3A_10 to %scan3A_12 step %scan3A_13  : i32 {
      %mul3A_260 = arith.constant 2 : i32
      %mul3A_261 = arith.muli %scan3A_259, %mul3A_260 : i32
      %add3A_262 = arith.constant 0 : i32
      %add3A_263 = arith.addi %mul3A_261, %add3A_262 : i32
      %mul3A_264 = arith.constant 48 : i32
      %mul3A_265 = arith.muli %mul3A_264, %add3A_263 : i32
      %mul3A_266 = arith.constant 3 : i32
      %mul3A_267 = vector.broadcast %mul3A_266 : i32 to vector<16xi32>
      %mul3A_268 = arith.muli %mul3A_267, %iota3A : vector<16xi32>
      %add3A_269 = vector.broadcast %mul3A_265 : i32 to vector<16xi32>
      %add3A_270 = arith.addi %add3A_269, %mul3A_268 : vector<16xi32>
      %add3A_271 = arith.constant 2 : i32
      %add3A_272 = vector.broadcast %add3A_271 : i32 to vector<16xi32>
      %add3A_273 = arith.addi %add3A_270, %add3A_272 : vector<16xi32>
      %min3A = arith.constant 8191 : i32
      %min3A_274 = vector.broadcast %min3A : i32 to vector<16xi32>
      %min3A_275 = arith.minsi %add3A_273, %min3A_274 : vector<16xi32>
      %gather3A = tpu.vector_load_idx %arg4[%min3A_275] : memref<8192xi32, #tpu.memory_space<vmem>>[vector<16xi32>], vector<16xi32>,
      %mul3A_276 = arith.constant 16 : i32
      %mul3A_277 = arith.muli %add3A_263, %mul3A_276 : i32
      %swap3A_278 = arith.index_cast %mul3A_277 : i32 to index
      %swap3A_279 = tpu.vector_load %arg6[%swap3A_278] {strides = array<i32>} : memref<2752xi32, #tpu.memory_space<vmem>>, vector<16xi32>,
      tpu.vector_store %arg6[%swap3A_278], %gather3A {strides = array<i32>} : memref<2752xi32, #tpu.memory_space<vmem>>, vector<16xi32>,
      %mul3A_280 = arith.constant 16 : i32
      %mul3A_281 = arith.muli %mul3A_280, %add3A_263 : i32
      %add3A_282 = vector.broadcast %mul3A_281 : i32 to vector<16xi32>
      %add3A_283 = arith.addi %add3A_282, %iota3A : vector<16xi32>
      %lt3A_284 = arith.constant 2730 : i32
      %lt3A_285 = vector.broadcast %lt3A_284 : i32 to vector<16xi32>
      %lt3A_286 = arith.cmpi slt, %add3A_283, %lt3A_285 : vector<16xi32>
      %sub3A_287 = vector.broadcast %mul3A_2 : i32 to vector<16xi32>
      %sub3A_288 = arith.subi %gather3A, %sub3A_287 : vector<16xi32>
      %ge3A_289 = arith.constant 0 : i32
      %ge3A_290 = vector.broadcast %ge3A_289 : i32 to vector<16xi32>
      %ge3A_291 = arith.cmpi sge, %sub3A_288, %ge3A_290 : vector<16xi32>
      %and3A_292 = arith.andi %lt3A_286, %ge3A_291 : vector<16xi1>
      %lt3A_293 = arith.constant 62528 : i32
      %lt3A_294 = vector.broadcast %lt3A_293 : i32 to vector<16xi32>
      %lt3A_295 = arith.cmpi slt, %sub3A_288, %lt3A_294 : vector<16xi32>
      %and3A_296 = arith.andi %and3A_292, %lt3A_295 : vector<16xi1>
      %jit3A_297 = arith.constant 0 : i32
      %broadcast_in_dim3A_298 = vector.broadcast %jit3A_297 : i32 to vector<16xi32>
      %select_n3A_299 = arith.select %and3A_296, %sub3A_288, %broadcast_in_dim3A_298 : vector<16xi1>, vector<16xi32>
      tpu.vector_store_idx %arg5[%select_n3A_299], %broadcast_in_dim3A_5 masked %and3A_296 : memref<62656xf32, #tpu.memory_space<vmem>>[vector<16xi32>], vector<16xf32>, vector<16xi1>
      %mul3A_300 = arith.constant 2 : i32
      %mul3A_301 = arith.muli %scan3A_259, %mul3A_300 : i32
      %add3A_302 = arith.constant 1 : i32
      %add3A_303 = arith.addi %mul3A_301, %add3A_302 : i32
      %mul3A_304 = arith.constant 48 : i32
      %mul3A_305 = arith.muli %mul3A_304, %add3A_303 : i32
      %mul3A_306 = arith.constant 3 : i32
      %mul3A_307 = vector.broadcast %mul3A_306 : i32 to vector<16xi32>
      %mul3A_308 = arith.muli %mul3A_307, %iota3A : vector<16xi32>
      %add3A_309 = vector.broadcast %mul3A_305 : i32 to vector<16xi32>
      %add3A_310 = arith.addi %add3A_309, %mul3A_308 : vector<16xi32>
      %add3A_311 = arith.constant 2 : i32
      %add3A_312 = vector.broadcast %add3A_311 : i32 to vector<16xi32>
      %add3A_313 = arith.addi %add3A_310, %add3A_312 : vector<16xi32>
      %min3A_314 = arith.constant 8191 : i32
      %min3A_315 = vector.broadcast %min3A_314 : i32 to vector<16xi32>
      %min3A_316 = arith.minsi %add3A_313, %min3A_315 : vector<16xi32>
      %gather3A_317 = tpu.vector_load_idx %arg4[%min3A_316] : memref<8192xi32, #tpu.memory_space<vmem>>[vector<16xi32>], vector<16xi32>,
      %mul3A_318 = arith.constant 16 : i32
      %mul3A_319 = arith.muli %add3A_303, %mul3A_318 : i32
      %swap3A_320 = arith.index_cast %mul3A_319 : i32 to index
      %swap3A_321 = tpu.vector_load %arg6[%swap3A_320] {strides = array<i32>} : memref<2752xi32, #tpu.memory_space<vmem>>, vector<16xi32>,
      tpu.vector_store %arg6[%swap3A_320], %gather3A_317 {strides = array<i32>} : memref<2752xi32, #tpu.memory_space<vmem>>, vector<16xi32>,
      %mul3A_322 = arith.constant 16 : i32
      %mul3A_323 = arith.muli %mul3A_322, %add3A_303 : i32
      %add3A_324 = vector.broadcast %mul3A_323 : i32 to vector<16xi32>
      %add3A_325 = arith.addi %add3A_324, %iota3A : vector<16xi32>
      %lt3A_326 = arith.constant 2730 : i32
      %lt3A_327 = vector.broadcast %lt3A_326 : i32 to vector<16xi32>
      %lt3A_328 = arith.cmpi slt, %add3A_325, %lt3A_327 : vector<16xi32>
      %sub3A_329 = vector.broadcast %mul3A_2 : i32 to vector<16xi32>
      %sub3A_330 = arith.subi %gather3A_317, %sub3A_329 : vector<16xi32>
      %ge3A_331 = arith.constant 0 : i32
      %ge3A_332 = vector.broadcast %ge3A_331 : i32 to vector<16xi32>
      %ge3A_333 = arith.cmpi sge, %sub3A_330, %ge3A_332 : vector<16xi32>
      %and3A_334 = arith.andi %lt3A_328, %ge3A_333 : vector<16xi1>
      %lt3A_335 = arith.constant 62528 : i32
      %lt3A_336 = vector.broadcast %lt3A_335 : i32 to vector<16xi32>
      %lt3A_337 = arith.cmpi slt, %sub3A_330, %lt3A_336 : vector<16xi32>
      %and3A_338 = arith.andi %and3A_334, %lt3A_337 : vector<16xi1>
      %jit3A_339 = arith.constant 0 : i32
      %broadcast_in_dim3A_340 = vector.broadcast %jit3A_339 : i32 to vector<16xi32>
      %select_n3A_341 = arith.select %and3A_338, %sub3A_330, %broadcast_in_dim3A_340 : vector<16xi1>, vector<16xi32>
      tpu.vector_store_idx %arg5[%select_n3A_341], %broadcast_in_dim3A_5 masked %and3A_338 : memref<62656xf32, #tpu.memory_space<vmem>>[vector<16xi32>], vector<16xf32>, vector<16xi1>
    }
    %scan3A_14 = arith.constant 86 : i32
    %scan3A_15 = arith.constant 0 : i32
    %scan3A_16 = arith.constant 0 : i32
    %scan3A_17 = arith.constant 86 : i32
    %scan3A_18 = arith.addi %scan3A_16, %scan3A_17 : i32
    %scan3A_19 = arith.constant 1 : i32
    scf.for %scan3A_259 = %scan3A_16 to %scan3A_18 step %scan3A_19  : i32 {
      %mul3A_260 = arith.constant 2 : i32
      %mul3A_261 = arith.muli %scan3A_259, %mul3A_260 : i32
      %add3A_262 = arith.constant 0 : i32
      %add3A_263 = arith.addi %mul3A_261, %add3A_262 : i32
      %mul3A_264 = arith.constant 16 : i32
      %mul3A_265 = arith.muli %add3A_263, %mul3A_264 : i32
      %get3A = arith.index_cast %mul3A_265 : i32 to index
      %get3A_266 = tpu.vector_load %arg6[%get3A] {strides = array<i32>} : memref<2752xi32, #tpu.memory_space<vmem>>, vector<16xi32>,
      %mul3A_267 = arith.constant 16 : i32
      %mul3A_268 = arith.muli %mul3A_267, %add3A_263 : i32
      %add3A_269 = vector.broadcast %mul3A_268 : i32 to vector<16xi32>
      %add3A_270 = arith.addi %add3A_269, %iota3A : vector<16xi32>
      %lt3A_271 = arith.constant 2730 : i32
      %lt3A_272 = vector.broadcast %lt3A_271 : i32 to vector<16xi32>
      %lt3A_273 = arith.cmpi slt, %add3A_270, %lt3A_272 : vector<16xi32>
      %sub3A_274 = vector.broadcast %mul3A_2 : i32 to vector<16xi32>
      %sub3A_275 = arith.subi %get3A_266, %sub3A_274 : vector<16xi32>
      %ge3A_276 = arith.constant 0 : i32
      %ge3A_277 = vector.broadcast %ge3A_276 : i32 to vector<16xi32>
      %ge3A_278 = arith.cmpi sge, %sub3A_275, %ge3A_277 : vector<16xi32>
      %and3A_279 = arith.andi %lt3A_273, %ge3A_278 : vector<16xi1>
      %lt3A_280 = arith.constant 62528 : i32
      %lt3A_281 = vector.broadcast %lt3A_280 : i32 to vector<16xi32>
      %lt3A_282 = arith.cmpi slt, %sub3A_275, %lt3A_281 : vector<16xi32>
      %and3A_283 = arith.andi %and3A_279, %lt3A_282 : vector<16xi1>
      %jit3A_284 = arith.constant 0 : i32
      %broadcast_in_dim3A_285 = vector.broadcast %jit3A_284 : i32 to vector<16xi32>
      %select_n3A_286 = arith.select %and3A_283, %sub3A_275, %broadcast_in_dim3A_285 : vector<16xi1>, vector<16xi32>
      tpu.vector_store_idx %arg5[%select_n3A_286], %broadcast_in_dim3A_5 masked %and3A_283 {add = true} : memref<62656xf32, #tpu.memory_space<vmem>>[vector<16xi32>], vector<16xf32>, vector<16xi1>
      %mul3A_287 = arith.constant 2 : i32
      %mul3A_288 = arith.muli %scan3A_259, %mul3A_287 : i32
      %add3A_289 = arith.constant 1 : i32
      %add3A_290 = arith.addi %mul3A_288, %add3A_289 : i32
      %mul3A_291 = arith.constant 16 : i32
      %mul3A_292 = arith.muli %add3A_290, %mul3A_291 : i32
      %get3A_293 = arith.index_cast %mul3A_292 : i32 to index
      %get3A_294 = tpu.vector_load %arg6[%get3A_293] {strides = array<i32>} : memref<2752xi32, #tpu.memory_space<vmem>>, vector<16xi32>,
      %mul3A_295 = arith.constant 16 : i32
      %mul3A_296 = arith.muli %mul3A_295, %add3A_290 : i32
      %add3A_297 = vector.broadcast %mul3A_296 : i32 to vector<16xi32>
      %add3A_298 = arith.addi %add3A_297, %iota3A : vector<16xi32>
      %lt3A_299 = arith.constant 2730 : i32
      %lt3A_300 = vector.broadcast %lt3A_299 : i32 to vector<16xi32>
      %lt3A_301 = arith.cmpi slt, %add3A_298, %lt3A_300 : vector<16xi32>
      %sub3A_302 = vector.broadcast %mul3A_2 : i32 to vector<16xi32>
      %sub3A_303 = arith.subi %get3A_294, %sub3A_302 : vector<16xi32>
      %ge3A_304 = arith.constant 0 : i32
      %ge3A_305 = vector.broadcast %ge3A_304 : i32 to vector<16xi32>
      %ge3A_306 = arith.cmpi sge, %sub3A_303, %ge3A_305 : vector<16xi32>
      %and3A_307 = arith.andi %lt3A_301, %ge3A_306 : vector<16xi1>
      %lt3A_308 = arith.constant 62528 : i32
      %lt3A_309 = vector.broadcast %lt3A_308 : i32 to vector<16xi32>
      %lt3A_310 = arith.cmpi slt, %sub3A_303, %lt3A_309 : vector<16xi32>
      %and3A_311 = arith.andi %and3A_307, %lt3A_310 : vector<16xi1>
      %jit3A_312 = arith.constant 0 : i32
      %broadcast_in_dim3A_313 = vector.broadcast %jit3A_312 : i32 to vector<16xi32>
      %select_n3A_314 = arith.select %and3A_311, %sub3A_303, %broadcast_in_dim3A_313 : vector<16xi1>, vector<16xi32>
      tpu.vector_store_idx %arg5[%select_n3A_314], %broadcast_in_dim3A_5 masked %and3A_311 {add = true} : memref<62656xf32, #tpu.memory_space<vmem>>[vector<16xi32>], vector<16xf32>, vector<16xi1>
    }
    %scan3A_20 = arith.constant 86 : i32
    %broadcast_in_dim3A_21 = arith.constant 6.000000e-01 : f32
    %broadcast_in_dim3A_22 = vector.broadcast %broadcast_in_dim3A_21 : f32 to vector<16xf32>
    %broadcast_in_dim3A_23 = arith.constant -1 : i32
    %broadcast_in_dim3A_24 = vector.broadcast %broadcast_in_dim3A_23 : i32 to vector<16xi32>
    %scan3A_25 = arith.constant 0 : i32
    %scan3A_26 = arith.constant 86 : i32
    %scan3A_27 = arith.addi %scan3A_25, %scan3A_26 : i32
    %scan3A_28 = arith.constant 1 : i32
    %scan3A_29 = scf.for %scan3A_259 = %scan3A_25 to %scan3A_27 step %scan3A_28 iter_args(%scan3A_260 = %broadcast_in_dim3A_24) -> (vector<16xi32>)  : i32 {
      %mul3A_261 = arith.constant 2 : i32
      %mul3A_262 = arith.muli %scan3A_259, %mul3A_261 : i32
      %add3A_263 = arith.constant 0 : i32
      %add3A_264 = arith.addi %mul3A_262, %add3A_263 : i32
      %mul3A_265 = arith.constant 16 : i32
      %mul3A_266 = arith.muli %add3A_264, %mul3A_265 : i32
      %get3A = arith.index_cast %mul3A_266 : i32 to index
      %get3A_267 = tpu.vector_load %arg6[%get3A] {strides = array<i32>} : memref<2752xi32, #tpu.memory_space<vmem>>, vector<16xi32>,
      %mul3A_268 = arith.constant 16 : i32
      %mul3A_269 = arith.muli %mul3A_268, %add3A_264 : i32
      %add3A_270 = vector.broadcast %mul3A_269 : i32 to vector<16xi32>
      %add3A_271 = arith.addi %add3A_270, %iota3A : vector<16xi32>
      %lt3A_272 = arith.constant 2730 : i32
      %lt3A_273 = vector.broadcast %lt3A_272 : i32 to vector<16xi32>
      %lt3A_274 = arith.cmpi slt, %add3A_271, %lt3A_273 : vector<16xi32>
      %sub3A_275 = vector.broadcast %mul3A_2 : i32 to vector<16xi32>
      %sub3A_276 = arith.subi %get3A_267, %sub3A_275 : vector<16xi32>
      %ge3A_277 = arith.constant 0 : i32
      %ge3A_278 = vector.broadcast %ge3A_277 : i32 to vector<16xi32>
      %ge3A_279 = arith.cmpi sge, %sub3A_276, %ge3A_278 : vector<16xi32>
      %and3A_280 = arith.andi %lt3A_274, %ge3A_279 : vector<16xi1>
      %lt3A_281 = arith.constant 62528 : i32
      %lt3A_282 = vector.broadcast %lt3A_281 : i32 to vector<16xi32>
      %lt3A_283 = arith.cmpi slt, %sub3A_276, %lt3A_282 : vector<16xi32>
      %and3A_284 = arith.andi %and3A_280, %lt3A_283 : vector<16xi1>
      %jit3A_285 = arith.constant 0 : i32
      %broadcast_in_dim3A_286 = vector.broadcast %jit3A_285 : i32 to vector<16xi32>
      %select_n3A_287 = arith.select %and3A_284, %sub3A_276, %broadcast_in_dim3A_286 : vector<16xi1>, vector<16xi32>
      %gather3A = tpu.vector_load_idx %arg5[%select_n3A_287] : memref<62656xf32, #tpu.memory_space<vmem>>[vector<16xi32>], vector<16xf32>,
      %convert_element_type3A_288 = arith.fptosi %gather3A : vector<16xf32> to vector<16xi32>
      %sub3A_289 = arith.constant 1 : i32
      %sub3A_290 = vector.broadcast %sub3A_289 : i32 to vector<16xi32>
      %sub3A_291 = arith.subi %convert_element_type3A_288, %sub3A_290 : vector<16xi32>
      %min3A = arith.constant 2047 : i32
      %min3A_292 = vector.broadcast %min3A : i32 to vector<16xi32>
      %min3A_293 = arith.minsi %sub3A_291, %min3A_292 : vector<16xi32>
      %shift_left3A = arith.constant 20 : i32
      %shift_left3A_294 = vector.broadcast %shift_left3A : i32 to vector<16xi32>
      %shift_left3A_295 = arith.shli %min3A_293, %shift_left3A_294 : vector<16xi32>
      %sub3A_296 = arith.constant 1048575 : i32
      %sub3A_297 = vector.broadcast %sub3A_296 : i32 to vector<16xi32>
      %sub3A_298 = arith.subi %sub3A_297, %get3A_267 : vector<16xi32>
      %or3A = arith.ori %shift_left3A_295, %sub3A_298 : vector<16xi32>
      %jit3A_299 = arith.constant -1 : i32
      %broadcast_in_dim3A_300 = vector.broadcast %jit3A_299 : i32 to vector<16xi32>
      %select_n3A_301 = arith.select %and3A_284, %or3A, %broadcast_in_dim3A_300 : vector<16xi1>, vector<16xi32>
      %mul3A_302 = arith.constant 16 : i32
      %mul3A_303 = arith.muli %add3A_264, %mul3A_302 : i32
      %swap3A_304 = arith.index_cast %mul3A_303 : i32 to index
      %swap3A_305 = tpu.vector_load %arg7[%swap3A_304] {strides = array<i32>} : memref<2752xi32, #tpu.memory_space<vmem>>, vector<16xi32>,
      tpu.vector_store %arg7[%swap3A_304], %select_n3A_301 {strides = array<i32>} : memref<2752xi32, #tpu.memory_space<vmem>>, vector<16xi32>,
      tpu.vector_store_idx %arg5[%select_n3A_287], %broadcast_in_dim3A_22 masked %and3A_284 : memref<62656xf32, #tpu.memory_space<vmem>>[vector<16xi32>], vector<16xf32>, vector<16xi1>
      %max3A = arith.maxsi %scan3A_260, %select_n3A_301 : vector<16xi32>
      %mul3A_306 = arith.constant 2 : i32
      %mul3A_307 = arith.muli %scan3A_259, %mul3A_306 : i32
      %add3A_308 = arith.constant 1 : i32
      %add3A_309 = arith.addi %mul3A_307, %add3A_308 : i32
      %mul3A_310 = arith.constant 16 : i32
      %mul3A_311 = arith.muli %add3A_309, %mul3A_310 : i32
      %get3A_312 = arith.index_cast %mul3A_311 : i32 to index
      %get3A_313 = tpu.vector_load %arg6[%get3A_312] {strides = array<i32>} : memref<2752xi32, #tpu.memory_space<vmem>>, vector<16xi32>,
      %mul3A_314 = arith.constant 16 : i32
      %mul3A_315 = arith.muli %mul3A_314, %add3A_309 : i32
      %add3A_316 = vector.broadcast %mul3A_315 : i32 to vector<16xi32>
      %add3A_317 = arith.addi %add3A_316, %iota3A : vector<16xi32>
      %lt3A_318 = arith.constant 2730 : i32
      %lt3A_319 = vector.broadcast %lt3A_318 : i32 to vector<16xi32>
      %lt3A_320 = arith.cmpi slt, %add3A_317, %lt3A_319 : vector<16xi32>
      %sub3A_321 = vector.broadcast %mul3A_2 : i32 to vector<16xi32>
      %sub3A_322 = arith.subi %get3A_313, %sub3A_321 : vector<16xi32>
      %ge3A_323 = arith.constant 0 : i32
      %ge3A_324 = vector.broadcast %ge3A_323 : i32 to vector<16xi32>
      %ge3A_325 = arith.cmpi sge, %sub3A_322, %ge3A_324 : vector<16xi32>
      %and3A_326 = arith.andi %lt3A_320, %ge3A_325 : vector<16xi1>
      %lt3A_327 = arith.constant 62528 : i32
      %lt3A_328 = vector.broadcast %lt3A_327 : i32 to vector<16xi32>
      %lt3A_329 = arith.cmpi slt, %sub3A_322, %lt3A_328 : vector<16xi32>
      %and3A_330 = arith.andi %and3A_326, %lt3A_329 : vector<16xi1>
      %jit3A_331 = arith.constant 0 : i32
      %broadcast_in_dim3A_332 = vector.broadcast %jit3A_331 : i32 to vector<16xi32>
      %select_n3A_333 = arith.select %and3A_330, %sub3A_322, %broadcast_in_dim3A_332 : vector<16xi1>, vector<16xi32>
      %gather3A_334 = tpu.vector_load_idx %arg5[%select_n3A_333] : memref<62656xf32, #tpu.memory_space<vmem>>[vector<16xi32>], vector<16xf32>,
      %convert_element_type3A_335 = arith.fptosi %gather3A_334 : vector<16xf32> to vector<16xi32>
      %sub3A_336 = arith.constant 1 : i32
      %sub3A_337 = vector.broadcast %sub3A_336 : i32 to vector<16xi32>
      %sub3A_338 = arith.subi %convert_element_type3A_335, %sub3A_337 : vector<16xi32>
      %min3A_339 = arith.constant 2047 : i32
      %min3A_340 = vector.broadcast %min3A_339 : i32 to vector<16xi32>
      %min3A_341 = arith.minsi %sub3A_338, %min3A_340 : vector<16xi32>
      %shift_left3A_342 = arith.constant 20 : i32
      %shift_left3A_343 = vector.broadcast %shift_left3A_342 : i32 to vector<16xi32>
      %shift_left3A_344 = arith.shli %min3A_341, %shift_left3A_343 : vector<16xi32>
      %sub3A_345 = arith.constant 1048575 : i32
      %sub3A_346 = vector.broadcast %sub3A_345 : i32 to vector<16xi32>
      %sub3A_347 = arith.subi %sub3A_346, %get3A_313 : vector<16xi32>
      %or3A_348 = arith.ori %shift_left3A_344, %sub3A_347 : vector<16xi32>
      %jit3A_349 = arith.constant -1 : i32
      %broadcast_in_dim3A_350 = vector.broadcast %jit3A_349 : i32 to vector<16xi32>
      %select_n3A_351 = arith.select %and3A_330, %or3A_348, %broadcast_in_dim3A_350 : vector<16xi1>, vector<16xi32>
      %mul3A_352 = arith.constant 16 : i32
      %mul3A_353 = arith.muli %add3A_309, %mul3A_352 : i32
      %swap3A_354 = arith.index_cast %mul3A_353 : i32 to index
      %swap3A_355 = tpu.vector_load %arg7[%swap3A_354] {strides = array<i32>} : memref<2752xi32, #tpu.memory_space<vmem>>, vector<16xi32>,
      tpu.vector_store %arg7[%swap3A_354], %select_n3A_351 {strides = array<i32>} : memref<2752xi32, #tpu.memory_space<vmem>>, vector<16xi32>,
      tpu.vector_store_idx %arg5[%select_n3A_333], %broadcast_in_dim3A_22 masked %and3A_330 : memref<62656xf32, #tpu.memory_space<vmem>>[vector<16xi32>], vector<16xf32>, vector<16xi1>
      %max3A_356 = arith.maxsi %max3A, %select_n3A_351 : vector<16xi32>
      scf.yield %max3A_356 : vector<16xi32>
    }
    %scan3A_30 = arith.constant 86 : i32
    %reduce_max3A = arith.constant true
    %reduce_max3A_31 = vector.broadcast %reduce_max3A : i1 to vector<16xi1>
    %reduce_max3A_32 = arith.constant -2147483648 : i32
    %reduce_max3A_33 = vector.broadcast %reduce_max3A_32 : i32 to vector<16xi32>
    %reduce_max3A_34 = arith.xori %scan3A_29, %reduce_max3A_33 : vector<16xi32>
    %reduce_max3A_35 = tpu.scan <max>, %reduce_max3A_34 masked %reduce_max3A_31 : vector<16xi32>, vector<16xi1> -> vector<16xi32>
    %reduce_max3A_36 = arith.xori %reduce_max3A_35, %reduce_max3A_33 : vector<16xi32>
    %reduce_max3A_37 = vector.extract %reduce_max3A_36[15] : i32 from vector<16xi32>
    %eq3A_38 = arith.constant 0 : i32
    %eq3A_39 = vector.broadcast %eq3A_38 : i32 to vector<16xi32>
    %eq3A_40 = arith.cmpi eq, %iota3A, %eq3A_39 : vector<16xi32>
    %broadcast_in_dim3A_41 = vector.broadcast %reduce_max3A_37 : i32 to vector<16xi32>
    %select_n3A = arith.select %eq3A_40, %broadcast_in_dim3A_41, %broadcast_in_dim3A_24 : vector<16xi1>, vector<16xi32>
    %parallel_loop3A_42 = arith.constant 0 : i32
    %parallel_loop3A_43 = arith.constant 172 : i32
    %parallel_loop3A_44 = arith.constant 1 : i32
    %parallel_loop3A_45 = scf.for %parallel_loop3A_259 = %parallel_loop3A_42 to %parallel_loop3A_43 step %parallel_loop3A_44 iter_args(%parallel_loop3A_260 = %broadcast_in_dim3A_24) -> (vector<16xi32>)  : i32 {
      %parallel_loop3A_261 = arith.constant 16 : i32
      %parallel_loop3A_262 = arith.muli %parallel_loop3A_259, %parallel_loop3A_261 : i32
      %parallel_loop3A_263 = arith.index_cast %parallel_loop3A_262 : i32 to index
      %parallel_loop3A_264 = tpu.vector_load %arg7[%parallel_loop3A_263] {strides = array<i32>} : memref<2752xi32, #tpu.memory_space<vmem>>, vector<16xi32>,
      %parallel_loop3A_265 = vector.broadcast %reduce_max3A_37 : i32 to vector<16xi32>
      %parallel_loop3A_266 = arith.cmpi slt, %parallel_loop3A_264, %parallel_loop3A_265 : vector<16xi32>
      %parallel_loop3A_267 = arith.constant -1 : i32
      %parallel_loop3A_268 = vector.broadcast %parallel_loop3A_267 : i32 to vector<16xi32>
      %parallel_loop3A_269 = arith.select %parallel_loop3A_266, %parallel_loop3A_264, %parallel_loop3A_268 : vector<16xi1>, vector<16xi32>
      %parallel_loop3A_270 = arith.maxsi %parallel_loop3A_260, %parallel_loop3A_269 : vector<16xi32>
      scf.yield %parallel_loop3A_270 : vector<16xi32>
    } {sc.loop_unroll_factor = 4 : i64, sc.parallel_access}
    %reduce_max3A_46 = arith.constant true
    %reduce_max3A_47 = vector.broadcast %reduce_max3A_46 : i1 to vector<16xi1>
    %reduce_max3A_48 = arith.constant -2147483648 : i32
    %reduce_max3A_49 = vector.broadcast %reduce_max3A_48 : i32 to vector<16xi32>
    %reduce_max3A_50 = arith.xori %parallel_loop3A_45, %reduce_max3A_49 : vector<16xi32>
    %reduce_max3A_51 = tpu.scan <max>, %reduce_max3A_50 masked %reduce_max3A_47 : vector<16xi32>, vector<16xi1> -> vector<16xi32>
    %reduce_max3A_52 = arith.xori %reduce_max3A_51, %reduce_max3A_49 : vector<16xi32>
    %reduce_max3A_53 = vector.extract %reduce_max3A_52[15] : i32 from vector<16xi32>
    %eq3A_54 = arith.constant 1 : i32
    %eq3A_55 = vector.broadcast %eq3A_54 : i32 to vector<16xi32>
    %eq3A_56 = arith.cmpi eq, %iota3A, %eq3A_55 : vector<16xi32>
    %broadcast_in_dim3A_57 = vector.broadcast %reduce_max3A_53 : i32 to vector<16xi32>
    %select_n3A_58 = arith.select %eq3A_56, %broadcast_in_dim3A_57, %select_n3A : vector<16xi1>, vector<16xi32>
    %parallel_loop3A_59 = arith.constant 0 : i32
    %parallel_loop3A_60 = arith.constant 172 : i32
    %parallel_loop3A_61 = arith.constant 1 : i32
    %parallel_loop3A_62 = scf.for %parallel_loop3A_259 = %parallel_loop3A_59 to %parallel_loop3A_60 step %parallel_loop3A_61 iter_args(%parallel_loop3A_260 = %broadcast_in_dim3A_24) -> (vector<16xi32>)  : i32 {
      %parallel_loop3A_261 = arith.constant 16 : i32
      %parallel_loop3A_262 = arith.muli %parallel_loop3A_259, %parallel_loop3A_261 : i32
      %parallel_loop3A_263 = arith.index_cast %parallel_loop3A_262 : i32 to index
      %parallel_loop3A_264 = tpu.vector_load %arg7[%parallel_loop3A_263] {strides = array<i32>} : memref<2752xi32, #tpu.memory_space<vmem>>, vector<16xi32>,
      %parallel_loop3A_265 = vector.broadcast %reduce_max3A_53 : i32 to vector<16xi32>
      %parallel_loop3A_266 = arith.cmpi slt, %parallel_loop3A_264, %parallel_loop3A_265 : vector<16xi32>
      %parallel_loop3A_267 = arith.constant -1 : i32
      %parallel_loop3A_268 = vector.broadcast %parallel_loop3A_267 : i32 to vector<16xi32>
      %parallel_loop3A_269 = arith.select %parallel_loop3A_266, %parallel_loop3A_264, %parallel_loop3A_268 : vector<16xi1>, vector<16xi32>
      %parallel_loop3A_270 = arith.maxsi %parallel_loop3A_260, %parallel_loop3A_269 : vector<16xi32>
      scf.yield %parallel_loop3A_270 : vector<16xi32>
    } {sc.loop_unroll_factor = 4 : i64, sc.parallel_access}
    %reduce_max3A_63 = arith.constant true
    %reduce_max3A_64 = vector.broadcast %reduce_max3A_63 : i1 to vector<16xi1>
    %reduce_max3A_65 = arith.constant -2147483648 : i32
    %reduce_max3A_66 = vector.broadcast %reduce_max3A_65 : i32 to vector<16xi32>
    %reduce_max3A_67 = arith.xori %parallel_loop3A_62, %reduce_max3A_66 : vector<16xi32>
    %reduce_max3A_68 = tpu.scan <max>, %reduce_max3A_67 masked %reduce_max3A_64 : vector<16xi32>, vector<16xi1> -> vector<16xi32>
    %reduce_max3A_69 = arith.xori %reduce_max3A_68, %reduce_max3A_66 : vector<16xi32>
    %reduce_max3A_70 = vector.extract %reduce_max3A_69[15] : i32 from vector<16xi32>
    %eq3A_71 = arith.constant 2 : i32
    %eq3A_72 = vector.broadcast %eq3A_71 : i32 to vector<16xi32>
    %eq3A_73 = arith.cmpi eq, %iota3A, %eq3A_72 : vector<16xi32>
    %broadcast_in_dim3A_74 = vector.broadcast %reduce_max3A_70 : i32 to vector<16xi32>
    %select_n3A_75 = arith.select %eq3A_73, %broadcast_in_dim3A_74, %select_n3A_58 : vector<16xi1>, vector<16xi32>
    %parallel_loop3A_76 = arith.constant 0 : i32
    %parallel_loop3A_77 = arith.constant 172 : i32
    %parallel_loop3A_78 = arith.constant 1 : i32
    %parallel_loop3A_79 = scf.for %parallel_loop3A_259 = %parallel_loop3A_76 to %parallel_loop3A_77 step %parallel_loop3A_78 iter_args(%parallel_loop3A_260 = %broadcast_in_dim3A_24) -> (vector<16xi32>)  : i32 {
      %parallel_loop3A_261 = arith.constant 16 : i32
      %parallel_loop3A_262 = arith.muli %parallel_loop3A_259, %parallel_loop3A_261 : i32
      %parallel_loop3A_263 = arith.index_cast %parallel_loop3A_262 : i32 to index
      %parallel_loop3A_264 = tpu.vector_load %arg7[%parallel_loop3A_263] {strides = array<i32>} : memref<2752xi32, #tpu.memory_space<vmem>>, vector<16xi32>,
      %parallel_loop3A_265 = vector.broadcast %reduce_max3A_70 : i32 to vector<16xi32>
      %parallel_loop3A_266 = arith.cmpi slt, %parallel_loop3A_264, %parallel_loop3A_265 : vector<16xi32>
      %parallel_loop3A_267 = arith.constant -1 : i32
      %parallel_loop3A_268 = vector.broadcast %parallel_loop3A_267 : i32 to vector<16xi32>
      %parallel_loop3A_269 = arith.select %parallel_loop3A_266, %parallel_loop3A_264, %parallel_loop3A_268 : vector<16xi1>, vector<16xi32>
      %parallel_loop3A_270 = arith.maxsi %parallel_loop3A_260, %parallel_loop3A_269 : vector<16xi32>
      scf.yield %parallel_loop3A_270 : vector<16xi32>
    } {sc.loop_unroll_factor = 4 : i64, sc.parallel_access}
    %reduce_max3A_80 = arith.constant true
    %reduce_max3A_81 = vector.broadcast %reduce_max3A_80 : i1 to vector<16xi1>
    %reduce_max3A_82 = arith.constant -2147483648 : i32
    %reduce_max3A_83 = vector.broadcast %reduce_max3A_82 : i32 to vector<16xi32>
    %reduce_max3A_84 = arith.xori %parallel_loop3A_79, %reduce_max3A_83 : vector<16xi32>
    %reduce_max3A_85 = tpu.scan <max>, %reduce_max3A_84 masked %reduce_max3A_81 : vector<16xi32>, vector<16xi1> -> vector<16xi32>
    %reduce_max3A_86 = arith.xori %reduce_max3A_85, %reduce_max3A_83 : vector<16xi32>
    %reduce_max3A_87 = vector.extract %reduce_max3A_86[15] : i32 from vector<16xi32>
    %eq3A_88 = arith.constant 3 : i32
    %eq3A_89 = vector.broadcast %eq3A_88 : i32 to vector<16xi32>
    %eq3A_90 = arith.cmpi eq, %iota3A, %eq3A_89 : vector<16xi32>
    %broadcast_in_dim3A_91 = vector.broadcast %reduce_max3A_87 : i32 to vector<16xi32>
    %select_n3A_92 = arith.select %eq3A_90, %broadcast_in_dim3A_91, %select_n3A_75 : vector<16xi1>, vector<16xi32>
    %parallel_loop3A_93 = arith.constant 0 : i32
    %parallel_loop3A_94 = arith.constant 172 : i32
    %parallel_loop3A_95 = arith.constant 1 : i32
    %parallel_loop3A_96 = scf.for %parallel_loop3A_259 = %parallel_loop3A_93 to %parallel_loop3A_94 step %parallel_loop3A_95 iter_args(%parallel_loop3A_260 = %broadcast_in_dim3A_24) -> (vector<16xi32>)  : i32 {
      %parallel_loop3A_261 = arith.constant 16 : i32
      %parallel_loop3A_262 = arith.muli %parallel_loop3A_259, %parallel_loop3A_261 : i32
      %parallel_loop3A_263 = arith.index_cast %parallel_loop3A_262 : i32 to index
      %parallel_loop3A_264 = tpu.vector_load %arg7[%parallel_loop3A_263] {strides = array<i32>} : memref<2752xi32, #tpu.memory_space<vmem>>, vector<16xi32>,
      %parallel_loop3A_265 = vector.broadcast %reduce_max3A_87 : i32 to vector<16xi32>
      %parallel_loop3A_266 = arith.cmpi slt, %parallel_loop3A_264, %parallel_loop3A_265 : vector<16xi32>
      %parallel_loop3A_267 = arith.constant -1 : i32
      %parallel_loop3A_268 = vector.broadcast %parallel_loop3A_267 : i32 to vector<16xi32>
      %parallel_loop3A_269 = arith.select %parallel_loop3A_266, %parallel_loop3A_264, %parallel_loop3A_268 : vector<16xi1>, vector<16xi32>
      %parallel_loop3A_270 = arith.maxsi %parallel_loop3A_260, %parallel_loop3A_269 : vector<16xi32>
      scf.yield %parallel_loop3A_270 : vector<16xi32>
    } {sc.loop_unroll_factor = 4 : i64, sc.parallel_access}
    %reduce_max3A_97 = arith.constant true
    %reduce_max3A_98 = vector.broadcast %reduce_max3A_97 : i1 to vector<16xi1>
    %reduce_max3A_99 = arith.constant -2147483648 : i32
    %reduce_max3A_100 = vector.broadcast %reduce_max3A_99 : i32 to vector<16xi32>
    %reduce_max3A_101 = arith.xori %parallel_loop3A_96, %reduce_max3A_100 : vector<16xi32>
    %reduce_max3A_102 = tpu.scan <max>, %reduce_max3A_101 masked %reduce_max3A_98 : vector<16xi32>, vector<16xi1> -> vector<16xi32>
    %reduce_max3A_103 = arith.xori %reduce_max3A_102, %reduce_max3A_100 : vector<16xi32>
    %reduce_max3A_104 = vector.extract %reduce_max3A_103[15] : i32 from vector<16xi32>
    %eq3A_105 = arith.constant 4 : i32
    %eq3A_106 = vector.broadcast %eq3A_105 : i32 to vector<16xi32>
    %eq3A_107 = arith.cmpi eq, %iota3A, %eq3A_106 : vector<16xi32>
    %broadcast_in_dim3A_108 = vector.broadcast %reduce_max3A_104 : i32 to vector<16xi32>
    %select_n3A_109 = arith.select %eq3A_107, %broadcast_in_dim3A_108, %select_n3A_92 : vector<16xi1>, vector<16xi32>
    %swap3A = arith.constant 0 : index
    %swap3A_110 = tpu.vector_load %arg8[%swap3A] {strides = array<i32>} : memref<16xi32, #tpu.memory_space<vmem>>, vector<16xi32>,
    tpu.vector_store %arg8[%swap3A], %select_n3A_109 {strides = array<i32>} : memref<16xi32, #tpu.memory_space<vmem>>, vector<16xi32>,
    %mul3A_111 = arith.constant 16 : i32
    %mul3A_112 = arith.muli %arg1, %mul3A_111 : i32
    "tpu.region"() ({
      %run_scoped3A = tpu.sem_alloc : memref<!tpu.dma_semaphore, #tpu.memory_space<semaphore_mem>>
      %dma_start3A = tpu.memref_slice %arg11[%mul3A_112] : memref<256xi32, #tpu.memory_space<vmem_shared>> -> memref<16xi32, #tpu.memory_space<vmem_shared>>
      %dma_start3A_259 = tpu.memref_slice %arg11[%mul3A_112] : memref<256xi32, #tpu.memory_space<vmem_shared>> -> memref<16xi32, #tpu.memory_space<vmem_shared>>
      tpu.enqueue_dma source(%arg8 : memref<16xi32, #tpu.memory_space<vmem>>) target(%dma_start3A_259 : memref<16xi32, #tpu.memory_space<vmem_shared>>) target_semaphore(%run_scoped3A : memref<!tpu.dma_semaphore, #tpu.memory_space<semaphore_mem>>)
      %dma_wait3A = tpu.memref_slice %arg11[%mul3A_112] : memref<256xi32, #tpu.memory_space<vmem_shared>> -> memref<16xi32, #tpu.memory_space<vmem_shared>>
      %dma_wait3A_260 = tpu.memref_slice %arg11[%mul3A_112] : memref<256xi32, #tpu.memory_space<vmem_shared>> -> memref<16xi32, #tpu.memory_space<vmem_shared>>
      tpu.wait_dma2 semaphore(%run_scoped3A : memref<!tpu.dma_semaphore, #tpu.memory_space<semaphore_mem>>) src(%arg8 : memref<16xi32, #tpu.memory_space<vmem>>) dst(%dma_wait3A_260 : memref<16xi32, #tpu.memory_space<vmem_shared>>)
      tpu.yield
    }) : () -> ()
    %sc_fetch_and_add3A = arith.constant 1 : i32
    %sc_fetch_and_add3A_113 = arith.constant 0 : i32
    %sc_fetch_and_add3A_114 = arith.constant 0 : i32
    %sc_fetch_and_add3A_115 = tpu.fetch_and_add_sync %arg12[%sc_fetch_and_add3A_113], %sc_fetch_and_add3A, %sc_fetch_and_add3A_114 : memref<2xi32, #tpu.memory_space<smem>>, i32 -> i32
    %while3A = arith.constant 0 : i32
    %while3A_116 = scf.while (%while3A_259 = %while3A) : (i32) -> i32 {
      %lt3A_260 = arith.constant 16 : i32
      %lt3A_261 = arith.cmpi slt, %while3A_259, %lt3A_260 : i32
      scf.condition(%lt3A_261) %while3A_259 : i32
    } do {
    ^bb0(%while3A_259: i32):
      %sc_fetch_and_add3A_260 = arith.constant 0 : i32
      %sc_fetch_and_add3A_261 = arith.constant 0 : i32
      %sc_fetch_and_add3A_262 = arith.constant 0 : i32
      %sc_fetch_and_add3A_263 = tpu.fetch_and_add_sync %arg12[%sc_fetch_and_add3A_261], %sc_fetch_and_add3A_260, %sc_fetch_and_add3A_262 : memref<2xi32, #tpu.memory_space<smem>>, i32 -> i32
      scf.yield %sc_fetch_and_add3A_263 : i32
    }
    %mul3A_117 = arith.constant 31264 : i32
    %mul3A_118 = arith.muli %add3A, %mul3A_117 : i32
    %lt3A = arith.constant 31 : i32
    %lt3A_119 = arith.cmpi slt, %add3A, %lt3A : i32
    %convert_element_type3A_120 = arith.extui %lt3A_119 : i1 to i32
    %cond3A_121 = arith.constant 0 : i32
    %cond3A_122 = arith.cmpi ne, %convert_element_type3A_120, %cond3A_121 : i32
    scf.if %cond3A_122 {
      "tpu.region"() ({
        %run_scoped3A = tpu.sem_alloc : memref<!tpu.dma_semaphore, #tpu.memory_space<semaphore_mem>>
        %dma_start3A = tpu.memref_slice %arg5[%mul3A_7] : memref<62656xf32, #tpu.memory_space<vmem>> -> memref<31264xf32, #tpu.memory_space<vmem>>
        %dma_start3A_259 = tpu.memref_slice %arg3[%mul3A_118] : memref<1000000xf32, #tpu.memory_space<hbm>> -> memref<31264xf32, #tpu.memory_space<hbm>>
        %dma_start3A_260 = tpu.memref_slice %arg3[%mul3A_118] : memref<1000000xf32, #tpu.memory_space<hbm>> -> memref<31264xf32, #tpu.memory_space<hbm>>
        %dma_start3A_261 = tpu.memref_slice %arg5[%mul3A_7] : memref<62656xf32, #tpu.memory_space<vmem>> -> memref<31264xf32, #tpu.memory_space<vmem>>
        tpu.enqueue_dma source(%dma_start3A_261 : memref<31264xf32, #tpu.memory_space<vmem>>) target(%dma_start3A_260 : memref<31264xf32, #tpu.memory_space<hbm>>) target_semaphore(%run_scoped3A : memref<!tpu.dma_semaphore, #tpu.memory_space<semaphore_mem>>)
        %dma_wait3A = tpu.memref_slice %arg5[%mul3A_7] : memref<62656xf32, #tpu.memory_space<vmem>> -> memref<31264xf32, #tpu.memory_space<vmem>>
        %dma_wait3A_262 = tpu.memref_slice %arg3[%mul3A_118] : memref<1000000xf32, #tpu.memory_space<hbm>> -> memref<31264xf32, #tpu.memory_space<hbm>>
        %dma_wait3A_263 = tpu.memref_slice %arg3[%mul3A_118] : memref<1000000xf32, #tpu.memory_space<hbm>> -> memref<31264xf32, #tpu.memory_space<hbm>>
        %dma_wait3A_264 = tpu.memref_slice %arg5[%mul3A_7] : memref<62656xf32, #tpu.memory_space<vmem>> -> memref<31264xf32, #tpu.memory_space<vmem>>
        tpu.wait_dma2 semaphore(%run_scoped3A : memref<!tpu.dma_semaphore, #tpu.memory_space<semaphore_mem>>) src(%dma_wait3A_264 : memref<31264xf32, #tpu.memory_space<vmem>>) dst(%dma_wait3A_263 : memref<31264xf32, #tpu.memory_space<hbm>>)
        tpu.yield
      }) : () -> ()
    } else {
    }
    %eq3A_123 = arith.constant 31 : i32
    %eq3A_124 = arith.cmpi eq, %add3A, %eq3A_123 : i32
    %convert_element_type3A_125 = arith.extui %eq3A_124 : i1 to i32
    %cond3A_126 = arith.constant 0 : i32
    %cond3A_127 = arith.cmpi ne, %convert_element_type3A_125, %cond3A_126 : i32
    scf.if %cond3A_127 {
      "tpu.region"() ({
        %run_scoped3A = tpu.sem_alloc : memref<!tpu.dma_semaphore, #tpu.memory_space<semaphore_mem>>
        %dma_start3A = arith.constant 31264 : i32
        %dma_start3A_259 = tpu.memref_slice %arg5[%dma_start3A] : memref<62656xf32, #tpu.memory_space<vmem>> -> memref<30816xf32, #tpu.memory_space<vmem>>
        %dma_start3A_260 = arith.constant 969184 : i32
        %dma_start3A_261 = tpu.memref_slice %arg3[%dma_start3A_260] : memref<1000000xf32, #tpu.memory_space<hbm>> -> memref<30816xf32, #tpu.memory_space<hbm>>
        %dma_start3A_262 = arith.constant 969184 : i32
        %dma_start3A_263 = tpu.memref_slice %arg3[%dma_start3A_262] : memref<1000000xf32, #tpu.memory_space<hbm>> -> memref<30816xf32, #tpu.memory_space<hbm>>
        %dma_start3A_264 = arith.constant 31264 : i32
        %dma_start3A_265 = tpu.memref_slice %arg5[%dma_start3A_264] : memref<62656xf32, #tpu.memory_space<vmem>> -> memref<30816xf32, #tpu.memory_space<vmem>>
        tpu.enqueue_dma source(%dma_start3A_265 : memref<30816xf32, #tpu.memory_space<vmem>>) target(%dma_start3A_263 : memref<30816xf32, #tpu.memory_space<hbm>>) target_semaphore(%run_scoped3A : memref<!tpu.dma_semaphore, #tpu.memory_space<semaphore_mem>>)
        %dma_wait3A = arith.constant 31264 : i32
        %dma_wait3A_266 = tpu.memref_slice %arg5[%dma_wait3A] : memref<62656xf32, #tpu.memory_space<vmem>> -> memref<30816xf32, #tpu.memory_space<vmem>>
        %dma_wait3A_267 = arith.constant 969184 : i32
        %dma_wait3A_268 = tpu.memref_slice %arg3[%dma_wait3A_267] : memref<1000000xf32, #tpu.memory_space<hbm>> -> memref<30816xf32, #tpu.memory_space<hbm>>
        %dma_wait3A_269 = arith.constant 969184 : i32
        %dma_wait3A_270 = tpu.memref_slice %arg3[%dma_wait3A_269] : memref<1000000xf32, #tpu.memory_space<hbm>> -> memref<30816xf32, #tpu.memory_space<hbm>>
        %dma_wait3A_271 = arith.constant 31264 : i32
        %dma_wait3A_272 = tpu.memref_slice %arg5[%dma_wait3A_271] : memref<62656xf32, #tpu.memory_space<vmem>> -> memref<30816xf32, #tpu.memory_space<vmem>>
        tpu.wait_dma2 semaphore(%run_scoped3A : memref<!tpu.dma_semaphore, #tpu.memory_space<semaphore_mem>>) src(%dma_wait3A_272 : memref<30816xf32, #tpu.memory_space<vmem>>) dst(%dma_wait3A_270 : memref<30816xf32, #tpu.memory_space<hbm>>)
        tpu.yield
      }) : () -> ()
    } else {
    }
    %sc_fetch_and_add3A_128 = arith.constant 1 : i32
    %sc_fetch_and_add3A_129 = arith.constant 1 : i32
    %sc_fetch_and_add3A_130 = arith.constant 0 : i32
    %sc_fetch_and_add3A_131 = tpu.fetch_and_add_sync %arg12[%sc_fetch_and_add3A_129], %sc_fetch_and_add3A_128, %sc_fetch_and_add3A_130 : memref<2xi32, #tpu.memory_space<smem>>, i32 -> i32
    %while3A_132 = arith.constant 0 : i32
    %while3A_133 = scf.while (%while3A_259 = %while3A_132) : (i32) -> i32 {
      %lt3A_260 = arith.constant 16 : i32
      %lt3A_261 = arith.cmpi slt, %while3A_259, %lt3A_260 : i32
      scf.condition(%lt3A_261) %while3A_259 : i32
    } do {
    ^bb0(%while3A_259: i32):
      %sc_fetch_and_add3A_260 = arith.constant 0 : i32
      %sc_fetch_and_add3A_261 = arith.constant 1 : i32
      %sc_fetch_and_add3A_262 = arith.constant 0 : i32
      %sc_fetch_and_add3A_263 = tpu.fetch_and_add_sync %arg12[%sc_fetch_and_add3A_261], %sc_fetch_and_add3A_260, %sc_fetch_and_add3A_262 : memref<2xi32, #tpu.memory_space<smem>>, i32 -> i32
      scf.yield %sc_fetch_and_add3A_263 : i32
    }
    "tpu.region"() ({
      %run_scoped3A = tpu.sem_alloc : memref<!tpu.dma_semaphore, #tpu.memory_space<semaphore_mem>>
      tpu.enqueue_dma source(%arg11 : memref<256xi32, #tpu.memory_space<vmem_shared>>) target(%arg9 : memref<256xi32, #tpu.memory_space<vmem>>) target_semaphore(%run_scoped3A : memref<!tpu.dma_semaphore, #tpu.memory_space<semaphore_mem>>)
      tpu.wait_dma2 semaphore(%run_scoped3A : memref<!tpu.dma_semaphore, #tpu.memory_space<semaphore_mem>>) src(%arg11 : memref<256xi32, #tpu.memory_space<vmem_shared>>) dst(%arg9 : memref<256xi32, #tpu.memory_space<vmem>>)
      tpu.yield
    }) : () -> ()
    %scan3A_134 = arith.constant 2147483647 : i32
    %scan3A_135 = arith.constant 0 : i32
    %scan3A_136 = arith.constant 16 : i32
    %scan3A_137 = arith.addi %scan3A_135, %scan3A_136 : i32
    %scan3A_138 = arith.constant 1 : i32
    %scan3A_139 = scf.for %scan3A_259 = %scan3A_135 to %scan3A_137 step %scan3A_138 iter_args(%scan3A_260 = %broadcast_in_dim3A_24) -> (vector<16xi32>)  : i32 {
      %mul3A_261 = arith.constant 16 : i32
      %mul3A_262 = arith.muli %scan3A_259, %mul3A_261 : i32
      %get3A = arith.index_cast %mul3A_262 : i32 to index
      %get3A_263 = tpu.vector_load %arg9[%get3A] {strides = array<i32>} : memref<256xi32, #tpu.memory_space<vmem>>, vector<16xi32>,
      %lt3A_264 = vector.broadcast %scan3A_134 : i32 to vector<16xi32>
      %lt3A_265 = arith.cmpi slt, %get3A_263, %lt3A_264 : vector<16xi32>
      %jit3A_266 = arith.constant -1 : i32
      %broadcast_in_dim3A_267 = vector.broadcast %jit3A_266 : i32 to vector<16xi32>
      %select_n3A_268 = arith.select %lt3A_265, %get3A_263, %broadcast_in_dim3A_267 : vector<16xi1>, vector<16xi32>
      %max3A = arith.maxsi %scan3A_260, %select_n3A_268 : vector<16xi32>
      scf.yield %max3A : vector<16xi32>
    }
    %scan3A_140 = arith.constant 16 : i32
    %reduce_max3A_141 = arith.constant true
    %reduce_max3A_142 = vector.broadcast %reduce_max3A_141 : i1 to vector<16xi1>
    %reduce_max3A_143 = arith.constant -2147483648 : i32
    %reduce_max3A_144 = vector.broadcast %reduce_max3A_143 : i32 to vector<16xi32>
    %reduce_max3A_145 = arith.xori %scan3A_139, %reduce_max3A_144 : vector<16xi32>
    %reduce_max3A_146 = tpu.scan <max>, %reduce_max3A_145 masked %reduce_max3A_142 : vector<16xi32>, vector<16xi1> -> vector<16xi32>
    %reduce_max3A_147 = arith.xori %reduce_max3A_146, %reduce_max3A_144 : vector<16xi32>
    %reduce_max3A_148 = vector.extract %reduce_max3A_147[15] : i32 from vector<16xi32>
    %eq3A_149 = arith.constant 0 : i32
    %eq3A_150 = vector.broadcast %eq3A_149 : i32 to vector<16xi32>
    %eq3A_151 = arith.cmpi eq, %iota3A, %eq3A_150 : vector<16xi32>
    %broadcast_in_dim3A_152 = vector.broadcast %reduce_max3A_148 : i32 to vector<16xi32>
    %select_n3A_153 = arith.select %eq3A_151, %broadcast_in_dim3A_152, %broadcast_in_dim3A_24 : vector<16xi1>, vector<16xi32>
    %scan3A_154 = arith.constant 0 : i32
    %scan3A_155 = arith.constant 16 : i32
    %scan3A_156 = arith.addi %scan3A_154, %scan3A_155 : i32
    %scan3A_157 = arith.constant 1 : i32
    %scan3A_158 = scf.for %scan3A_259 = %scan3A_154 to %scan3A_156 step %scan3A_157 iter_args(%scan3A_260 = %broadcast_in_dim3A_24) -> (vector<16xi32>)  : i32 {
      %mul3A_261 = arith.constant 16 : i32
      %mul3A_262 = arith.muli %scan3A_259, %mul3A_261 : i32
      %get3A = arith.index_cast %mul3A_262 : i32 to index
      %get3A_263 = tpu.vector_load %arg9[%get3A] {strides = array<i32>} : memref<256xi32, #tpu.memory_space<vmem>>, vector<16xi32>,
      %lt3A_264 = vector.broadcast %reduce_max3A_148 : i32 to vector<16xi32>
      %lt3A_265 = arith.cmpi slt, %get3A_263, %lt3A_264 : vector<16xi32>
      %jit3A_266 = arith.constant -1 : i32
      %broadcast_in_dim3A_267 = vector.broadcast %jit3A_266 : i32 to vector<16xi32>
      %select_n3A_268 = arith.select %lt3A_265, %get3A_263, %broadcast_in_dim3A_267 : vector<16xi1>, vector<16xi32>
      %max3A = arith.maxsi %scan3A_260, %select_n3A_268 : vector<16xi32>
      scf.yield %max3A : vector<16xi32>
    }
    %scan3A_159 = arith.constant 16 : i32
    %reduce_max3A_160 = arith.constant true
    %reduce_max3A_161 = vector.broadcast %reduce_max3A_160 : i1 to vector<16xi1>
    %reduce_max3A_162 = arith.constant -2147483648 : i32
    %reduce_max3A_163 = vector.broadcast %reduce_max3A_162 : i32 to vector<16xi32>
    %reduce_max3A_164 = arith.xori %scan3A_158, %reduce_max3A_163 : vector<16xi32>
    %reduce_max3A_165 = tpu.scan <max>, %reduce_max3A_164 masked %reduce_max3A_161 : vector<16xi32>, vector<16xi1> -> vector<16xi32>
    %reduce_max3A_166 = arith.xori %reduce_max3A_165, %reduce_max3A_163 : vector<16xi32>
    %reduce_max3A_167 = vector.extract %reduce_max3A_166[15] : i32 from vector<16xi32>
    %eq3A_168 = arith.constant 1 : i32
    %eq3A_169 = vector.broadcast %eq3A_168 : i32 to vector<16xi32>
    %eq3A_170 = arith.cmpi eq, %iota3A, %eq3A_169 : vector<16xi32>
    %broadcast_in_dim3A_171 = vector.broadcast %reduce_max3A_167 : i32 to vector<16xi32>
    %select_n3A_172 = arith.select %eq3A_170, %broadcast_in_dim3A_171, %select_n3A_153 : vector<16xi1>, vector<16xi32>
    %scan3A_173 = arith.constant 0 : i32
    %scan3A_174 = arith.constant 16 : i32
    %scan3A_175 = arith.addi %scan3A_173, %scan3A_174 : i32
    %scan3A_176 = arith.constant 1 : i32
    %scan3A_177 = scf.for %scan3A_259 = %scan3A_173 to %scan3A_175 step %scan3A_176 iter_args(%scan3A_260 = %broadcast_in_dim3A_24) -> (vector<16xi32>)  : i32 {
      %mul3A_261 = arith.constant 16 : i32
      %mul3A_262 = arith.muli %scan3A_259, %mul3A_261 : i32
      %get3A = arith.index_cast %mul3A_262 : i32 to index
      %get3A_263 = tpu.vector_load %arg9[%get3A] {strides = array<i32>} : memref<256xi32, #tpu.memory_space<vmem>>, vector<16xi32>,
      %lt3A_264 = vector.broadcast %reduce_max3A_167 : i32 to vector<16xi32>
      %lt3A_265 = arith.cmpi slt, %get3A_263, %lt3A_264 : vector<16xi32>
      %jit3A_266 = arith.constant -1 : i32
      %broadcast_in_dim3A_267 = vector.broadcast %jit3A_266 : i32 to vector<16xi32>
      %select_n3A_268 = arith.select %lt3A_265, %get3A_263, %broadcast_in_dim3A_267 : vector<16xi1>, vector<16xi32>
      %max3A = arith.maxsi %scan3A_260, %select_n3A_268 : vector<16xi32>
      scf.yield %max3A : vector<16xi32>
    }
    %scan3A_178 = arith.constant 16 : i32
    %reduce_max3A_179 = arith.constant true
    %reduce_max3A_180 = vector.broadcast %reduce_max3A_179 : i1 to vector<16xi1>
    %reduce_max3A_181 = arith.constant -2147483648 : i32
    %reduce_max3A_182 = vector.broadcast %reduce_max3A_181 : i32 to vector<16xi32>
    %reduce_max3A_183 = arith.xori %scan3A_177, %reduce_max3A_182 : vector<16xi32>
    %reduce_max3A_184 = tpu.scan <max>, %reduce_max3A_183 masked %reduce_max3A_180 : vector<16xi32>, vector<16xi1> -> vector<16xi32>
    %reduce_max3A_185 = arith.xori %reduce_max3A_184, %reduce_max3A_182 : vector<16xi32>
    %reduce_max3A_186 = vector.extract %reduce_max3A_185[15] : i32 from vector<16xi32>
    %eq3A_187 = arith.constant 2 : i32
    %eq3A_188 = vector.broadcast %eq3A_187 : i32 to vector<16xi32>
    %eq3A_189 = arith.cmpi eq, %iota3A, %eq3A_188 : vector<16xi32>
    %broadcast_in_dim3A_190 = vector.broadcast %reduce_max3A_186 : i32 to vector<16xi32>
    %select_n3A_191 = arith.select %eq3A_189, %broadcast_in_dim3A_190, %select_n3A_172 : vector<16xi1>, vector<16xi32>
    %scan3A_192 = arith.constant 0 : i32
    %scan3A_193 = arith.constant 16 : i32
    %scan3A_194 = arith.addi %scan3A_192, %scan3A_193 : i32
    %scan3A_195 = arith.constant 1 : i32
    %scan3A_196 = scf.for %scan3A_259 = %scan3A_192 to %scan3A_194 step %scan3A_195 iter_args(%scan3A_260 = %broadcast_in_dim3A_24) -> (vector<16xi32>)  : i32 {
      %mul3A_261 = arith.constant 16 : i32
      %mul3A_262 = arith.muli %scan3A_259, %mul3A_261 : i32
      %get3A = arith.index_cast %mul3A_262 : i32 to index
      %get3A_263 = tpu.vector_load %arg9[%get3A] {strides = array<i32>} : memref<256xi32, #tpu.memory_space<vmem>>, vector<16xi32>,
      %lt3A_264 = vector.broadcast %reduce_max3A_186 : i32 to vector<16xi32>
      %lt3A_265 = arith.cmpi slt, %get3A_263, %lt3A_264 : vector<16xi32>
      %jit3A_266 = arith.constant -1 : i32
      %broadcast_in_dim3A_267 = vector.broadcast %jit3A_266 : i32 to vector<16xi32>
      %select_n3A_268 = arith.select %lt3A_265, %get3A_263, %broadcast_in_dim3A_267 : vector<16xi1>, vector<16xi32>
      %max3A = arith.maxsi %scan3A_260, %select_n3A_268 : vector<16xi32>
      scf.yield %max3A : vector<16xi32>
    }
    %scan3A_197 = arith.constant 16 : i32
    %reduce_max3A_198 = arith.constant true
    %reduce_max3A_199 = vector.broadcast %reduce_max3A_198 : i1 to vector<16xi1>
    %reduce_max3A_200 = arith.constant -2147483648 : i32
    %reduce_max3A_201 = vector.broadcast %reduce_max3A_200 : i32 to vector<16xi32>
    %reduce_max3A_202 = arith.xori %scan3A_196, %reduce_max3A_201 : vector<16xi32>
    %reduce_max3A_203 = tpu.scan <max>, %reduce_max3A_202 masked %reduce_max3A_199 : vector<16xi32>, vector<16xi1> -> vector<16xi32>
    %reduce_max3A_204 = arith.xori %reduce_max3A_203, %reduce_max3A_201 : vector<16xi32>
    %reduce_max3A_205 = vector.extract %reduce_max3A_204[15] : i32 from vector<16xi32>
    %eq3A_206 = arith.constant 3 : i32
    %eq3A_207 = vector.broadcast %eq3A_206 : i32 to vector<16xi32>
    %eq3A_208 = arith.cmpi eq, %iota3A, %eq3A_207 : vector<16xi32>
    %broadcast_in_dim3A_209 = vector.broadcast %reduce_max3A_205 : i32 to vector<16xi32>
    %select_n3A_210 = arith.select %eq3A_208, %broadcast_in_dim3A_209, %select_n3A_191 : vector<16xi1>, vector<16xi32>
    %scan3A_211 = arith.constant 0 : i32
    %scan3A_212 = arith.constant 16 : i32
    %scan3A_213 = arith.addi %scan3A_211, %scan3A_212 : i32
    %scan3A_214 = arith.constant 1 : i32
    %scan3A_215 = scf.for %scan3A_259 = %scan3A_211 to %scan3A_213 step %scan3A_214 iter_args(%scan3A_260 = %broadcast_in_dim3A_24) -> (vector<16xi32>)  : i32 {
      %mul3A_261 = arith.constant 16 : i32
      %mul3A_262 = arith.muli %scan3A_259, %mul3A_261 : i32
      %get3A = arith.index_cast %mul3A_262 : i32 to index
      %get3A_263 = tpu.vector_load %arg9[%get3A] {strides = array<i32>} : memref<256xi32, #tpu.memory_space<vmem>>, vector<16xi32>,
      %lt3A_264 = vector.broadcast %reduce_max3A_205 : i32 to vector<16xi32>
      %lt3A_265 = arith.cmpi slt, %get3A_263, %lt3A_264 : vector<16xi32>
      %jit3A_266 = arith.constant -1 : i32
      %broadcast_in_dim3A_267 = vector.broadcast %jit3A_266 : i32 to vector<16xi32>
      %select_n3A_268 = arith.select %lt3A_265, %get3A_263, %broadcast_in_dim3A_267 : vector<16xi1>, vector<16xi32>
      %max3A = arith.maxsi %scan3A_260, %select_n3A_268 : vector<16xi32>
      scf.yield %max3A : vector<16xi32>
    }
    %scan3A_216 = arith.constant 16 : i32
    %reduce_max3A_217 = arith.constant true
    %reduce_max3A_218 = vector.broadcast %reduce_max3A_217 : i1 to vector<16xi1>
    %reduce_max3A_219 = arith.constant -2147483648 : i32
    %reduce_max3A_220 = vector.broadcast %reduce_max3A_219 : i32 to vector<16xi32>
    %reduce_max3A_221 = arith.xori %scan3A_215, %reduce_max3A_220 : vector<16xi32>
    %reduce_max3A_222 = tpu.scan <max>, %reduce_max3A_221 masked %reduce_max3A_218 : vector<16xi32>, vector<16xi1> -> vector<16xi32>
    %reduce_max3A_223 = arith.xori %reduce_max3A_222, %reduce_max3A_220 : vector<16xi32>
    %reduce_max3A_224 = vector.extract %reduce_max3A_223[15] : i32 from vector<16xi32>
    %eq3A_225 = arith.constant 4 : i32
    %eq3A_226 = vector.broadcast %eq3A_225 : i32 to vector<16xi32>
    %eq3A_227 = arith.cmpi eq, %iota3A, %eq3A_226 : vector<16xi32>
    %broadcast_in_dim3A_228 = vector.broadcast %reduce_max3A_224 : i32 to vector<16xi32>
    %select_n3A_229 = arith.select %eq3A_227, %broadcast_in_dim3A_228, %select_n3A_210 : vector<16xi1>, vector<16xi32>
    %eq3A_230 = arith.constant 31 : i32
    %eq3A_231 = arith.cmpi eq, %add3A, %eq3A_230 : i32
    %jit3A = arith.constant 30816 : i32
    %jit3A_232 = arith.constant 31264 : i32
    %select_n3A_233 = arith.select %eq3A_231, %jit3A, %jit3A_232 : i32
    %gt3A = arith.constant 0 : i32
    %gt3A_234 = vector.broadcast %gt3A : i32 to vector<16xi32>
    %gt3A_235 = arith.cmpi sgt, %select_n3A_229, %gt3A_234 : vector<16xi32>
    %and3A = arith.constant 1048575 : i32
    %and3A_236 = vector.broadcast %and3A : i32 to vector<16xi32>
    %and3A_237 = arith.andi %select_n3A_229, %and3A_236 : vector<16xi32>
    %sub3A = arith.constant 1048575 : i32
    %sub3A_238 = vector.broadcast %sub3A : i32 to vector<16xi32>
    %sub3A_239 = arith.subi %sub3A_238, %and3A_237 : vector<16xi32>
    %ge3A = vector.broadcast %mul3A_118 : i32 to vector<16xi32>
    %ge3A_240 = arith.cmpi sge, %sub3A_239, %ge3A : vector<16xi32>
    %and3A_241 = arith.andi %gt3A_235, %ge3A_240 : vector<16xi1>
    %add3A_242 = arith.addi %mul3A_118, %select_n3A_233 : i32
    %lt3A_243 = vector.broadcast %add3A_242 : i32 to vector<16xi32>
    %lt3A_244 = arith.cmpi slt, %sub3A_239, %lt3A_243 : vector<16xi32>
    %and3A_245 = arith.andi %and3A_241, %lt3A_244 : vector<16xi1>
    %reduce_or3A = arith.constant 1.000000e+00 : f32
    %reduce_or3A_246 = arith.constant 0.000000e+00 : f32
    %reduce_or3A_247 = vector.broadcast %reduce_or3A : f32 to vector<16xf32>
    %reduce_or3A_248 = vector.broadcast %reduce_or3A_246 : f32 to vector<16xf32>
    %reduce_or3A_249 = arith.select %and3A_245, %reduce_or3A_247, %reduce_or3A_248 : vector<16xi1>, vector<16xf32>
    %reduce_or3A_250 = arith.constant true
    %reduce_or3A_251 = vector.broadcast %reduce_or3A_250 : i1 to vector<16xi1>
    %reduce_or3A_252 = tpu.scan <max>, %reduce_or3A_249 masked %reduce_or3A_251 : vector<16xf32>, vector<16xi1> -> vector<16xf32>
    %reduce_or3A_253 = vector.extract %reduce_or3A_252[15] : f32 from vector<16xf32>
    %reduce_or3A_254 = arith.constant 0.000000e+00 : f32
    %reduce_or3A_255 = arith.cmpf ogt, %reduce_or3A_253, %reduce_or3A_254 : f32
    %convert_element_type3A_256 = arith.extui %reduce_or3A_255 : i1 to i32
    %cond3A_257 = arith.constant 0 : i32
    %cond3A_258 = arith.cmpi ne, %convert_element_type3A_256, %cond3A_257 : i32
    scf.if %cond3A_258 {
      %jit3A_259 = arith.constant -1 : i32
      %broadcast_in_dim3A_260 = vector.broadcast %jit3A_259 : i32 to vector<16xi32>
      %select_n3A_261 = arith.select %and3A_245, %sub3A_239, %broadcast_in_dim3A_260 : vector<16xi1>, vector<16xi32>
      %reduce_max3A_262 = arith.constant true
      %reduce_max3A_263 = vector.broadcast %reduce_max3A_262 : i1 to vector<16xi1>
      %reduce_max3A_264 = arith.constant -2147483648 : i32
      %reduce_max3A_265 = vector.broadcast %reduce_max3A_264 : i32 to vector<16xi32>
      %reduce_max3A_266 = arith.xori %select_n3A_261, %reduce_max3A_265 : vector<16xi32>
      %reduce_max3A_267 = tpu.scan <max>, %reduce_max3A_266 masked %reduce_max3A_263 : vector<16xi32>, vector<16xi1> -> vector<16xi32>
      %reduce_max3A_268 = arith.xori %reduce_max3A_267, %reduce_max3A_265 : vector<16xi32>
      %reduce_max3A_269 = vector.extract %reduce_max3A_268[15] : i32 from vector<16xi32>
      %broadcast_in_dim3A_270 = vector.broadcast %reduce_max3A_269 : i32 to vector<16xi32>
      %select_n3A_271 = arith.select %and3A_245, %sub3A_239, %broadcast_in_dim3A_270 : vector<16xi1>, vector<16xi32>
      %broadcast_in_dim3A_272 = arith.constant 1.800000e+00 : f32
      %broadcast_in_dim3A_273 = vector.broadcast %broadcast_in_dim3A_272 : f32 to vector<16xf32>
      %swap3A_274 = arith.constant 0 : index
      %swap3A_275 = tpu.vector_load %arg10[%swap3A_274] {strides = array<i32>} : memref<16xf32, #tpu.memory_space<vmem>>, vector<16xf32>,
      tpu.vector_store %arg10[%swap3A_274], %broadcast_in_dim3A_273 {strides = array<i32>} : memref<16xf32, #tpu.memory_space<vmem>>, vector<16xf32>,
      "tpu.region"() ({
        %run_scoped3A = tpu.sem_alloc : memref<!tpu.dma_semaphore, #tpu.memory_space<semaphore_mem>>
        %dma_start3A = arith.constant 0 : i32
        %dma_start3A_276 = tpu.memref_slice %arg3[%dma_start3A] : memref<1000000xf32, #tpu.memory_space<hbm>> -> memref<1000000xf32, #tpu.memory_space<hbm>>
        tpu.enqueue_indirect_dma source(%arg10 : memref<16xf32, #tpu.memory_space<vmem>>) target(%dma_start3A_276 : memref<1000000xf32, #tpu.memory_space<hbm>>) offsets(%select_n3A_271 : vector<16xi32>) semaphore(%run_scoped3A : memref<!tpu.dma_semaphore, #tpu.memory_space<semaphore_mem>>)
        %dma_wait3A = arith.constant 0 : i32
        %dma_wait3A_277 = tpu.memref_slice %arg3[%dma_wait3A] : memref<1000000xf32, #tpu.memory_space<hbm>> -> memref<1000000xf32, #tpu.memory_space<hbm>>
        tpu.wait_indirect_dma semaphore(%run_scoped3A : memref<!tpu.dma_semaphore, #tpu.memory_space<semaphore_mem>>) src(%arg10 : memref<16xf32, #tpu.memory_space<vmem>>) dst(%dma_wait3A_277 : memref<1000000xf32, #tpu.memory_space<hbm>>)
        tpu.yield
      }) : () -> ()
    } else {
    }
    return
  }
}

</mosaic_0001>

<sc_bundles>
// kernel: spiking_attention_sc.3.cloned.1.call-start
scs
__scs_entry_jumppad:
0x0: {  	(pc) =	sbr.rel $0x88, $3  }
0x1: {  	(tag) =	ssettag $0x0;
	lr =	simm.s32 $0x1  }
0x2: {  	[smem:$0x3FA0] =	sst lr;
	_ =	strace $0xD0000000  }
0x3: {  	_ = 	snop  }
0x4: {  	_ = 	snop  }
0x5: {  	_ = 	snop  }
0x6: {  	_ = 	snop  }
0x7: {  	_ = 	snop  }
__scs_overlays_trampoline_lowered:
0x8: {  	[smem:$0x3FAF] =	sst s0  }
0x9: {  	[smem:$0x3FB0] =	sst s1  }
0xa: {  	[smem:$0x3FB1] =	sst s2  }
0xb: {  	[smem:$0x3FB2] =	sst s3  }
0xc: {  	[smem:$0x3FB3] =	sst s4  }
0xd: {  	[smem:$0x3FB4] =	sst s5  }
0xe: {  	[smem:$0x3FB5] =	sst s6  }
0xf: {  	[smem:$0x3FB6] =	sst s7  }
0x10: {  	[smem:$0x3FB7] =	sst s8  }
0x11: {  	[smem:$0x3FB8] =	sst s9;
	s0 =	simm.s32 @!p0 $0x0  }
0x12: {  	s1 =	sld [smem:$0x3F9E];
	s0 =	simm.s32 @p0 $0x1  }
0x13: {  	[smem:$0x3FB9] =	sst s0;
	s0 =	simm.s32 @!p1 $0x0  }
0x14: {  	s2 =	sld [smem:$0x3F9D];
	s0 =	simm.s32 @p1 $0x1  }
0x15: {  	[smem:$0x3FBA] =	sst s0;
	s0 =	simm.s32 @!p2 $0x0  }
0x16: {  	s3 =	sld [smem:$0x3FDB];
	s0 =	simm.s32 @p2 $0x1  }
0x17: {  	s4 =	simm.s32 $0x1BF5;
	[smem:$0x3FBC] =	sst s0  }
0x18: {  	s0 =	sld [smem:$0x3F9F];
	_ =	swait.ge [sflag:s4], $0x0  }
0x19: {  	s7 =	sld [smem:$0x3FA0]  }
0x1a: {  	s8 =	sadd.s32 $0xFFFFE003, lr  }
0x1b: {  	s9 =	sadd.s32 $0xFFFFFEF7, lr;
	s5 =	simm.s32 $0xFFFFFFFF;
	p2 =	slt.u32 s8, $0xFFFFF086  }
0x1c: {  	p1 =	slt.u32 s9, $0xF7A;
	s5 =	simm.s32 @!p2 $0x0  }
0x1d: {  	s5 =	simm.s32 @p1 $0x1;
	p0 =	seq.s32 s7, s2  }
0x1e: {  	s7 =	smul.u32 @!p0 $0xF7A, s2;
	p2 =	seq.s32 @!p0 s5, $0x0  }
0x1f: {  	s9 =	smul.u32 $0xF7A, s1;
	s8 =	simm.s32 @!p0 $0x1BF5;
	p2 =	por !p2, p0  }
0x20: {  	[sflag:s8] =	ssyncset.s32 @!p0 $0xFFFFF086;
	s6 =	sadd.s32 @!p0 s3, s7;
	s7 =	simm.s32 @!p0 $0x108  }
0x21: {  	s3 =	sadd.s32 s3, s9;
	s6 =	sadd.s32 @!p0 $0x88, s6;
	s7 =	simm.s32 @p2 $0x1082  }
0x22: {  	[simem:s7], [sflag:s8] =	dma.local @!p0 [hbm:s6], $0xF7A  }
0x23: {  	s9 =	sor.u32 $0xD0000000, s2;
	s6 =	simm.s32 $0x108;
	_ =	swait.ge @!p0 [sflag:s8], $0x0  }
0x24: {  	s3 =	sadd.s32 $0x88, s3;
	s6 =	simm.s32 @!p1 $0x1082;
	[sflag:s4] =	ssyncset.s32 $0xFFFFF086  }
0x25: {  	[simem:s6], [sflag:s4] =	dma.local [hbm:s3], $0xF7A  }
0x26: {  	[smem:$0x3FA0] =	sst s1;
	(tag) =	ssettag s2;
	_ =	strace s9  }
0x27: {  	s1 =	sld [smem:$0x3FB0]  }
0x28: {  	s2 =	sld [smem:$0x3FB1]  }
0x29: {  	s4 =	sld [smem:$0x3FB3]  }
0x2a: {  	p0 =	seq.s32 s5, $0x0;
	s5 =	sld [smem:$0x3FB4]  }
0x2b: {  	s6 =	sld [smem:$0x3FB5]  }
0x2c: {  	s7 =	sld [smem:$0x3FB6]  }
0x2d: {  	s3 =	simm.s32 $0x108;
	s8 =	sld [smem:$0x3FB7]  }
0x2e: {  	s3 =	simm.s32 @!p0 $0x1082;
	s9 =	sld [smem:$0x3FB8]  }
0x2f: {  	lr =	sadd.s32 s0, s3;
	s0 =	sld [smem:$0x3FAF]  }
0x30: {  	s3 =	sld [smem:$0x3FB2]  }
0x31: {  	[smem:$0x3FBB] =	sst s10  }
0x32: {  	s10 =	sld [smem:$0x3FB9];
	_ =	sdelay $0x3  }
0x33: {  	p0 =	seq.s32 s10, $0x1;
	s10 =	sld [smem:$0x3FBB];
	_ =	sdelay $0x3  }
0x34: {  	[smem:$0x3FBB] =	sst s10  }
0x35: {  	s10 =	sld [smem:$0x3FBA];
	_ =	sdelay $0x3  }
0x36: {  	p1 =	seq.s32 s10, $0x1;
	s10 =	sld [smem:$0x3FBB];
	_ =	sdelay $0x3  }
0x37: {  	[smem:$0x3FBB] =	sst s10  }
0x38: {  	s10 =	sld [smem:$0x3FBC]  }
0x39: {  	_ = 	snop;
	(pc) =	sbr.ind lr, $3  }
0x3a: {  	_ = 	snop  }
0x3b: {  	_ = 	snop  }
0x3c: {  	p2 =	seq.s32 s10, $0x1;
	s10 =	sld [smem:$0x3FBB]  }
0x3d: {  	_ =	shalt  }
0x3e: {  	_ =	shalt  }
0x3f: {  	_ =	shalt  }
0x40: {  	_ =	shalt  }
0x41: {  	_ =	shalt  }
0x42: {  	_ =	shalt  }
0x43: {  	_ =	shalt  }
0x44: {  	_ =	shalt  }
0x45: {  	_ =	shalt  }
0x46: {  	_ =	shalt  }
0x47: {  	_ =	shalt  }
0x48: {  	_ =	shalt  }
0x49: {  	_ =	shalt  }
0x4a: {  	_ =	shalt  }
0x4b: {  	_ =	shalt  }
0x4c: {  	_ =	shalt  }
0x4d: {  	_ =	shalt  }
0x4e: {  	_ =	shalt  }
0x4f: {  	_ =	shalt  }
0x50: {  	_ =	shalt  }
0x51: {  	_ =	shalt  }
0x52: {  	_ =	shalt  }
0x53: {  	_ =	shalt  }
0x54: {  	_ =	shalt  }
0x55: {  	_ =	shalt  }
0x56: {  	_ =	shalt  }
0x57: {  	_ =	shalt  }
0x58: {  	_ =	shalt  }
0x59: {  	_ =	shalt  }
0x5a: {  	_ =	shalt  }
0x5b: {  	_ =	shalt  }
0x5c: {  	_ =	shalt  }
0x5d: {  	_ =	shalt  }
0x5e: {  	_ =	shalt  }
0x5f: {  	_ =	shalt  }
0x60: {  	_ =	shalt  }
0x61: {  	_ =	shalt  }
0x62: {  	_ =	shalt  }
0x63: {  	_ =	shalt  }
0x64: {  	_ =	shalt  }
0x65: {  	_ =	shalt  }
0x66: {  	_ =	shalt  }
0x67: {  	_ =	shalt  }
0x68: {  	_ =	shalt  }
0x69: {  	_ =	shalt  }
0x6a: {  	_ =	shalt  }
0x6b: {  	_ =	shalt  }
0x6c: {  	_ =	shalt  }
0x6d: {  	_ =	shalt  }
0x6e: {  	_ =	shalt  }
0x6f: {  	_ =	shalt  }
0x70: {  	_ =	shalt  }
0x71: {  	_ =	shalt  }
0x72: {  	_ =	shalt  }
0x73: {  	_ =	shalt  }
0x74: {  	_ =	shalt  }
0x75: {  	_ =	shalt  }
0x76: {  	_ =	shalt  }
0x77: {  	_ =	shalt  }
0x78: {  	_ =	shalt  }
0x79: {  	_ =	shalt  }
0x7a: {  	_ =	shalt  }
0x7b: {  	_ =	shalt  }
0x7c: {  	_ =	shalt  }
0x7d: {  	_ =	shalt  }
0x7e: {  	_ =	shalt  }
0x7f: {  	_ =	shalt  }
0x80: {  	_ =	shalt  }
0x81: {  	_ =	shalt  }
0x82: {  	_ =	shalt  }
0x83: {  	_ =	shalt  }
0x84: {  	_ =	shalt  }
0x85: {  	_ =	shalt  }
0x86: {  	_ =	shalt  }
0x87: {  	_ =	shalt  }
.Lfunc_end0:
.L_simem_size_0:
called_computation_lowered:
.L_overlay_start_0:
0x88: {  	s2 =	sld [smem:$0x3FD9]  }
0x89: {  	s3 =	sld [smem:$0x3FFE];
	_ =	sdelay $0x1  }
0x8a: {  	s1 =	srdreg.scid  }
0x8b: {  	s0 =	sand.u32 $0x1, s1  }
0x8c: {  	s18 =	sshll.u32 s0, $0xA;
	s2 =	sadd.s32 s3, s2  }
0x8d: {  	s2 =	sadd.s32 s2, s18  }
0x8e: {  	[smem:$0x3FC7] =	sst s2  }
0x8f: {  	_ = 	snop  }
0x90: {  	s2 =	sld [smem:$0x3FC9]  }
0x91: {  	s19 =	sld [smem:$0x3FD0];
	(tm) =	ssettm $0x1  }
0x92: {  	s4 =	sld [smem:$0x3FFB];
	_ =	sdelay $0x3  }
0x93: {  	_ =	strace s4  }
0x94: {  	s4 =	sld [smem:$0x3FFC];
	_ =	sdelay $0x3  }
0x95: {  	_ =	strace s4  }
0x96: {  	s4 =	sld [smem:$0x3FFD];
	_ =	sdelay $0x3  }
0x97: {  	_ =	strace s4  }
0x98: {  	_ =	strace $0x8FFFFFFF  }
0x99: {  	s20 =	sld [smem:$0x3FDB];
	_ =	sdelay $0x1  }
0x9a: {  	s5 =	simm.s32 $_scs_section_size  }
0x9b: {  	s6 =	simm.s32 $_size__tile_overlayer_lowered;
	s7 =	simm.s32 $_tile_overlayer_lowered  }
0x9c: {  	s23 =	simm.s32 $0x1BFF;
	s22 =	sshll.u32 s7, $0x1;
	s4 =	sadd.s32 s5, s20  }
0x9d: {  	s8 =	simm.s32 $0x0;
	s21 =	sshll.u32 s6, $0x1;
	s6 =	sadd.s32 s22, s4  }
0x9e: {  	[timem:s8], [sflag:s23] =	dma.local [hbm:s6], s21  }
0x9f: {  	_ =	swait.ge [sflag:s23], s21  }
0xa0: {  	s5 =	ssub.s32 $0x0, s21;
	[sflag:s23] =	ssyncset.done $0x0  }
0xa1: {  	[sflag:s23] =	ssyncadd.s32 s5;
	_ =	sdelay $0x1  }
0xa2: {  	s24 =	simm.s32 $0x1B8B  }
0xa3: {  	_ =	swait.ge [sflag:s24], $0x1  }
0xa4: {  	[sflag:s24] =	ssyncset.done $0x0  }
0xa5: {  	s25 =	simm.s32 $0x1B8E;
	[sflag:s24] =	ssyncadd.s32 $0xFFFFFFFF  }
0xa6: {  	s26 =	simm.s32 $execute0_lowered;
	[smem:$0x3FD2] =	sst s25  }
0xa7: {  	s5 =	sshll.u32 s26, $0x1;
	_ =	strace $0x80000046;
	[dreg:$0x1] =	wrdreg $0xFFFFFFFF  }
0xa8: {  	s28 =	simm.s32 $_size_execute0_lowered;
	s4 =	sadd.s32 s4, s5;
	[dreg:$0x0] =	wrdreg $0x0  }
0xa9: {  	s5 =	sshll.u32 s28, $0x1;
	[dreg:$0x2] =	wrdreg s4  }
0xaa: {  	[dreg:$0x3] =	wrdreg s5  }
0xab: {  	[dreg:$0x4] =	wrdreg $0xC0  }
0xac: {  	_ =	task [dreg:s8], $0x5FFFF  }
0xad: {  	[dreg:$0x1] =	wrdreg $0xFFFFFFFF  }
0xae: {  	[dreg:$0x0] =	wrdreg $0x60  }
0xaf: {  	[dreg:$0x2] =	wrdreg s2  }
0xb0: {  	[dreg:$0x3] =	wrdreg s19  }
0xb1: {  	[dreg:$0x4] =	wrdreg $0x12D000  }
0xb2: {  	[dreg:$0x5] =	wrdreg $0x9  }
0xb3: {  	_ =	task.clear_ibuf [dreg:s8], $0x6FFFF;
	_ =	strace $0x90000046  }
0xb4: {  	s29 =	simm.s32 $0x9;
	_ =	strace $0x80000048  }
0xb5: {  	_ =	swait.ge [sflag:s29], $0x1  }
0xb6: {  	[sflag:s29] =	ssyncadd.s32 $0xFFFFFFFF  }
0xb7: {  	_ =	strace $0x90000048  }
0xb8: {  	_ =	sfence  }
0xb9: {  	s30 =	sld [smem:$0x0];
	_ =	sdelay $0x2  }
0xba: {  	s31 =	sshll.u32 s1, $0xD;
	s1 =	sshrl.u32 s1, $0x2  }
0xbb: {  	s3 =	sand.u32 $0x4000, s31;
	s1 =	sadd.s32 s1, s30  }
0xbc: {  	s0 =	sor.u32 s3, s0;
	s1 =	sshll.u32 s1, $0x11  }
0xbd: {  	s0 =	sor.u32 s1, s0  }
0xbe: {  	s0 =	sadd.s32 $0x8F2B, s0  }
0xbf: {  	[sflag:s0] =	ssyncadd.remote.s32 $0x1  }
0xc0: {  	_ =	sfence.sel $0xFFFF  }
0xc1: {  	[dreg:$0x0] =	wrdreg $0xFFFFFFFF;
	(pc) =	sbr.abs _section_cstart, $3  }
0xc2: {  	[dreg:$0x1] =	wrdreg $0xFFFFFFFF  }
0xc3: {  	_ =	task.clear_ibuf [dreg:s8], $0x2FFFF;
	_ =	strace $0x9FFFFFFF  }
0xc4: {  	(tm) =	ssettm $0x7FFFFFFF  }
0xc5: {  	_ =	shalt  }
tec
execute0_lowered:
.L_overlay_start_1:
0x0: {  	(tag) =	ssettag $0x1  }
0x1: {  	s1 =	rddreg [dreg:$0x0]  }
0x2: {  	s2 =	rddreg [dreg:$0x1]  }
0x3: {  	s3 =	rddreg [dreg:$0x2]  }
0x4: {  	s0 =	rddreg [dreg:$0x3];
	s5 =	srdreg.scid  }
0x5: {  	s4 =	simm.s32 $0x0;
	s12 =	stileid.u32;
	s18 =	simm.s32 $0x4  }
0x6: {  	s19 =	simm.s32 $0x12B80;
	s20 =	simm.s32 $0x0;
	s8 =	sand.u32 $0x1, s5  }
0x7: {  	[smem:$0x7FF] =	sst s4;
	s6 =	sshll.u32 s12, $0x1;
	s13 =	smul.u32 $0xF440, s12  }
0x8: {  	s28 =	sshll.u32 s12, $0x4;
	p1 =	sne.s32 s12, $0x0;
	s12 =	simm.s32 $0x5  }
0x9: {  	s5 =	ssub.s32 $0x2, s8;
	s9 =	sor.u32 s8, s6;
	s26 =	smul.u32 $0x7A20, s8  }
0xa: {  	_ =	strace $0x80000047;
	s6 =	sadd.s32 s28, s3;
	s14 =	smul.u32 $0x1E880, s8  }
0xb: {  	s16 =	sshll.u32 s8, $0x7;
	s8 =	sadd.s32 $0x1D93C, s2;
	s7 =	sshrl.u32 s5, $0x1  }
0xc: {  	s11 =	smul.u32 $0x7A20, s9;
	p0 =	seq.s32 s9, $0x1F;
	s9 =	simm.s32 $0x7860  }
0xd: {  	v1 =	vmov s13;
	s13 =	simm.s32 $0x2000;
	s10 =	ssub.s32 s5, s7;
	s5 =	sadd.s32 $0x2000, s26  }
0xe: {  	v0 =	vlaneseq.u32;
	v4 =	vimm.f32 $1.000000000e+00;
	v7 =	vimm.f32 $6.000000240e-01;
	s9 =	simm.s32 @!p0 $0x7A20;
	s15 =	sand.u32 $0x1FE00, s14;
	s31 =	sshrl.u32 s14, $0x2  }
0xf: {  	vm0 =	vcmask $0x300;
	vm1 =	vcmask $0x314;
	vm2 =	vcmask $0x714;
	s14 =	simm.s32 $0x12B00;
	s29 =	sshrl.u32 s11, $0x3;
	s17 =	sadd.s32 s11, s9  }
0x10: {  	v5 =	vmul.u32 $0x3, v0;
	v6 =	vmul.u32 $0xFFFFFFFF, v0;
	s15 =	sor.u32 s16, s15;
	s9 =	smax.u32 s10, $0x1;
	v2 =	vmov s11;
	s11 =	sadd.s32 $0x2040, s31  }
0x11: {  	vm3 =	vcmask $0xB14;
	vm4 =	vcmask $0x704;
	v8 =	vimm.f32 $0.0e+00;
	s16 =	simm.s32 $0x2;
	s7 =	sadd.s32 s2, s29;
	s30 =	sshrl.u32 s15, $0x2  }
0x12: {  	v5 =	vadd.s32 $0x2, v5;
	v6 =	vadd.s32 $0xAAA, v6;
	v3 =	vmov s17;
	s15 =	simm.s32 $0x1;
	s17 =	simm.s32 $0x3;
	s10 =	sadd.s32 $0x2000, s30  }
.LBB2_1:
0x13: {  	s21 =	simm.s32 @!p1 $0x0  }
0x14: {  	[tilespmem:s4], [sflag:$0x5] =	stream.linear.gather [hbm4b:s1+s4], $0x2000, $0x38;
	[tilespmem:$0x12D10] =	vst v63  }
0x15: {  	[smem:$0x0] =	sst @!p1 s21  }
0x16: {  	[smem:$0x1] =	sst @!p1 s21  }
0x17: {  	_ =	swait.ge [sflag:s12], $0x2000  }
0x18: {  	[sflag:s12] =	ssyncset.done $0x0  }
0x19: {  	[sflag:s12] =	ssyncadd.s32 $0xFFFFE000  }
0x1a: {  	[tilespmem:s10+$0x0] =	vst v4  }
0x1b: {  	[tilespmem:s11+$0x30] =	vst v4  }
0x1c: {  	[tilespmem:s11+$0x20] =	vst v4  }
0x1d: {  	[tilespmem:s11+$0x10] =	vst v4  }
0x1e: {  	[tilespmem:s11+$0x0] =	vst v4  }
0x1f: {  	s24 =	simm.s32 $0x0;
	s22 =	simm.s32 $0x11510;
	[tilespmem:s11+$0xFFFFFFF0] =	vst v4  }
0x20: {  	s23 =	smov.u32 s11;
	s25 =	smov.u32 s10;
	s21 =	simm.s32 $0x10;
	[tilespmem:s11+$0xFFFFFFE0] =	vst v4  }
.LBB2_2:
0x21: {  	s24 =	sadd.s32 $0x8, s24;
	[tilespmem:s23+$0xFFFFFFD0] =	vst v4;
	s25 =	sadd.s32 $0x80, s25;
	s23 =	sadd.s32 $0x80, s23  }
0x22: {  	[tilespmem:s25+$0x0] =	vst v4;
	p2 =	slt.u32 s24, $0x7A0  }
0x23: {  	[tilespmem:s23+$0x30] =	vst v4  }
.Ltmp0:
0x24: {  	[tilespmem:s23+$0x20] =	vst v4;
	(pc) =	sbr.rel @p2 .LBB2_2-.Ltmp0, $4  }
0x25: {  	[tilespmem:s23+$0x10] =	vst v4  }
0x26: {  	[tilespmem:s23+$0x0] =	vst v4  }
0x27: {  	[tilespmem:s23+$0xFFFFFFF0] =	vst v4  }
0x28: {  	s26 =	simm.s32 $0x0;
	[tilespmem:s23+$0xFFFFFFE0] =	vst v4  }
0x29: {  	v9 =	vadd.s32 s26, v5  }
0x2a: {  	vm5 =	vlt.s32 v9, $0x1FFF  }
0x2b: {  	v9 =	vnsel vm5, $0x1FFF, v9;
	_ =	sdelay $0x3  }
0x2c: {  	[tilespmem:s23+$0xFFFFFFD0] =	vst v4  }
0x2d: {  	v9 =	vld.idx.msk [tilespmem:v9+s4+$0x0], $0xffff;
	_ =	sdelay $0x3  }
0x2e: {  	s30 =	simm.s32 $0x0  }
0x2f: {  	v10 =	vmov s30;
	v11 =	vsub.s32 v9, v1  }
0x30: {  	s31 =	simm.s32 $0x30;
	vm5 =	vlt.u32 v10, v6;
	vm6 =	vlt.u32 v11, $0xF440  }
0x31: {  	v10 =	vadd.s32 s31, v5;
	vm5 =	vmand vm5, vm6  }
0x32: {  	vm6 =	vlt.s32 v10, $0x1FFF;
	v11 =	vnsel vm5, $0x0, v11  }
0x33: {  	v10 =	vnsel vm6, $0x1FFF, v10;
	_ =	sdelay $0x2  }
0x34: {  	[tilespmem:s22+$0xFFFFFFF0] =	vst v9  }
0x35: {  	[tilespmem:v11+s13+$0x0] =	vst.idx.msk vm5, v4  }
0x36: {  	v10 =	vld.idx.msk [tilespmem:v10+s4+$0x0], $0xffff;
	_ =	sdelay $0x4  }
0x37: {  	v11 =	vmov s21;
	v9 =	vsub.s32 v10, v1  }
0x38: {  	s24 =	simm.s32 $0x60;
	vm5 =	vlt.u32 v11, v6;
	vm6 =	vlt.u32 v9, $0xF440  }
0x39: {  	s23 =	simm.s32 $0x30;
	s26 =	simm.s32 $0x50;
	s25 =	simm.s32 $0x11510;
	[tilespmem:s22+$0x0] =	vst v10;
	v10 =	vadd.s32 s24, v5;
	vm5 =	vmand vm5, vm6  }
.LBB2_4:
0x3a: {  	p2 =	sne.s32 s26, $0xAB0;
	vm6 =	vlt.s32 v10, $0x1FFF;
	v9 =	vnsel vm5, $0x0, v9  }
0x3b: {  	v10 =	vnsel vm6, $0x1FFF, v10;
	_ =	sdelay $0x3  }
0x3c: {  	[tilespmem:v9+s13+$0x0] =	vst.idx.msk vm5, v4  }
0x3d: {  	v9 =	vld.idx.msk [tilespmem:v10+s4+$0x0], $0xffff;
	_ =	sdelay $0x4  }
0x3e: {  	s28 =	sadd.s32 $0xFFFFFFF0, s23  }
0x3f: {  	v10 =	vmov s28;
	v11 =	vsub.s32 v9, v1  }
0x40: {  	s28 =	sadd.s32 $0x30, s24;
	vm5 =	vlt.u32 v10, v6;
	vm6 =	vlt.u32 v11, $0xF440  }
0x41: {  	v10 =	vadd.s32 s28, v5;
	vm5 =	vmand vm5, vm6  }
0x42: {  	vm6 =	vlt.s32 v10, $0x1FFF;
	v11 =	vnsel vm5, $0x0, v11  }
0x43: {  	v10 =	vnsel vm6, $0x1FFF, v10;
	_ =	sdelay $0x1  }
0x44: {  	s25 =	sadd.s32 $0x20, s25  }
0x45: {  	[tilespmem:s25+$0xFFFFFFF0] =	vst v9  }
0x46: {  	[tilespmem:v11+s13+$0x0] =	vst.idx.msk vm5, v4  }
0x47: {  	v9 =	vld.idx.msk [tilespmem:v10+s4+$0x0], $0xffff;
	_ =	sdelay $0x3  }
.Ltmp1:
0x48: {  	(pc) =	sbr.rel @p2 .LBB2_4-.Ltmp1, $4  }
0x49: {  	_ = 	snop  }
0x4a: {  	v10 =	vmov s23;
	s23 =	smov.u32 s26;
	[tilespmem:s25+$0x0] =	vst v9;
	v9 =	vsub.s32 v9, v1  }
0x4b: {  	s24 =	sadd.s32 $0x60, s24;
	vm5 =	vlt.u32 v10, v6;
	vm6 =	vlt.u32 v9, $0xF440  }
0x4c: {  	s26 =	sadd.s32 $0x20, s26;
	v10 =	vadd.s32 s24, v5;
	vm5 =	vmand vm5, vm6  }
0x4d: {  	vm6 =	vlt.s32 v10, $0x1FFF;
	v9 =	vnsel vm5, $0x0, v9  }
0x4e: {  	v10 =	vnsel vm6, $0x1FFF, v10;
	_ =	sdelay $0x3  }
0x4f: {  	[tilespmem:v9+s13+$0x0] =	vst.idx.msk vm5, v4  }
0x50: {  	v9 =	vld.idx.msk [tilespmem:v10+s4+$0x0], $0xffff;
	_ =	sdelay $0x3  }
0x51: {  	s26 =	sadd.s32 $0xFFFFFFF0, s23  }
0x52: {  	v10 =	vmov s26;
	v11 =	vsub.s32 v9, v1  }
0x53: {  	s24 =	sadd.s32 $0x30, s24;
	vm5 =	vlt.u32 v10, v6;
	vm6 =	vlt.u32 v11, $0xF440  }
0x54: {  	v10 =	vadd.s32 s24, v5;
	vm5 =	vmand vm5, vm6  }
0x55: {  	vm6 =	vlt.s32 v10, $0x1FFF;
	v11 =	vnsel vm5, $0x0, v11  }
0x56: {  	v10 =	vnsel vm6, $0x1FFF, v10;
	_ =	sdelay $0x1  }
0x57: {  	s31 =	sadd.s32 $0x20, s25  }
0x58: {  	[tilespmem:s31+$0xFFFFFFF0] =	vst v9  }
0x59: {  	[tilespmem:v11+s13+$0x0] =	vst.idx.msk vm5, v4  }
0x5a: {  	v9 =	vld.idx.msk [tilespmem:v10+s4+$0x0], $0xffff;
	_ =	sdelay $0x4  }
0x5b: {  	v10 =	vmov s23;
	v11 =	vsub.s32 v9, v1  }
0x5c: {  	vm5 =	vlt.u32 v10, v6;
	vm6 =	vlt.u32 v11, $0xF440  }
0x5d: {  	vm5 =	vmand vm5, vm6  }
0x5e: {  	v10 =	vnsel vm5, $0x0, v11;
	_ =	sdelay $0x3  }
0x5f: {  	[tilespmem:s31+$0x0] =	vst v9  }
0x60: {  	[tilespmem:v10+s13+$0x0] =	vst.idx.msk vm5, v4  }
.LBB2_6:
0x61: {  	v9 =	vld [tilespmem:s22+$0xFFFFFFF0];
	_ =	sdelay $0x3  }
0x62: {  	s23 =	sadd.s32 $0xFFFFFFF0, s21  }
0x63: {  	v10 =	vmov s23;
	v9 =	vsub.s32 v9, v1  }
0x64: {  	vm5 =	vlt.u32 v10, v6;
	vm6 =	vlt.u32 v9, $0xF440  }
0x65: {  	vm5 =	vmand vm5, vm6  }
0x66: {  	v9 =	vnsel vm5, $0x0, v9;
	_ =	sdelay $0x4  }
0x67: {  	[tilespmem:v9+s13+$0x0] =	vst.idx.add.f32.msk vm5, v4  }
0x68: {  	v9 =	vld [tilespmem:s22+$0x0];
	_ =	sdelay $0x4  }
0x69: {  	v10 =	vmov s21;
	v9 =	vsub.s32 v9, v1  }
0x6a: {  	vm5 =	vlt.u32 v10, v6;
	vm6 =	vlt.u32 v9, $0xF440  }
0x6b: {  	vm5 =	vmand vm5, vm6  }
0x6c: {  	p2 =	sne.s32 s21, $0xAB0;
	v9 =	vnsel vm5, $0x0, v9  }
.Ltmp2:
0x6d: {  	_ = 	snop;
	(pc) =	sbr.rel @p2 .LBB2_6-.Ltmp2, $2  }
0x6e: {  	_ =	sdelay $0x2  }
0x6f: {  	s21 =	sadd.s32 $0x20, s21;
	s22 =	sadd.s32 $0x20, s22;
	[tilespmem:v9+s13+$0x0] =	vst.idx.add.f32.msk vm5, v4  }
0x70: {  	v9 =	vimm.s32 $0xFFFFFFFF;
	s21 =	simm.s32 $0x10;
	s22 =	simm.s32 $0x11510;
	s23 =	simm.s32 $0x12010  }
.LBB2_8:
0x71: {  	v10 =	vld [tilespmem:s22+$0xFFFFFFF0];
	_ =	sdelay $0x3  }
0x72: {  	s24 =	sadd.s32 $0xFFFFFFF0, s21  }
0x73: {  	v11 =	vmov s24;
	v12 =	vsub.s32 v10, v1  }
0x74: {  	vm5 =	vlt.u32 v11, v6;
	vm6 =	vlt.u32 v12, $0xF440  }
0x75: {  	vm5 =	vmand vm5, vm6  }
0x76: {  	v11 =	vnsel vm5, $0x0, v12;
	_ =	sdelay $0x4  }
0x77: {  	v12 =	vld.idx.msk [tilespmem:v11+s13+$0x0], $0xffff;
	_ =	sdelay $0x4  }
0x78: {  	v12 =	vtrunc.f32 v12  }
0x79: {  	v12 =	vcvt.f32.s32 v12;
	_ =	sdelay $0x1  }
0x7a: {  	v12 =	vadd.s32 $0xFFFFFFFF, v12  }
0x7b: {  	vm6 =	vlt.s32 v12, $0x7FF  }
0x7c: {  	v12 =	vnsel vm6, $0x7FF, v12  }
0x7d: {  	v10 =	vsub.s32 $0xFFFFF, v10;
	v12 =	vshll.u32 v12, $0x14  }
0x7e: {  	v10 =	vor.u32 v10, v12  }
0x7f: {  	v10 =	vnsel vm5, $0xFFFFFFFF, v10  }
0x80: {  	[tilespmem:s23+$0xFFFFFFF0] =	vst v10  }
0x81: {  	[tilespmem:v11+s13+$0x0] =	vst.idx.msk vm5, v7  }
0x82: {  	v11 =	vld [tilespmem:s22+$0x0];
	_ =	sdelay $0x4  }
0x83: {  	v62 =	vmov s21;
	v13 =	vsub.s32 v11, v1  }
0x84: {  	vm5 =	vlt.u32 v62, v6;
	vm6 =	vlt.u32 v13, $0xF440  }
0x85: {  	vm5 =	vmand vm5, vm6  }
0x86: {  	v63 =	vnsel vm5, $0x0, v13;
	_ =	sdelay $0x4  }
0x87: {  	v13 =	vld.idx.msk [tilespmem:v63+s13+$0x0], $0xffff;
	_ =	sdelay $0x4  }
0x88: {  	v13 =	vtrunc.f32 v13  }
0x89: {  	v13 =	vcvt.f32.s32 v13;
	_ =	sdelay $0x1  }
0x8a: {  	v13 =	vadd.s32 $0xFFFFFFFF, v13  }
0x8b: {  	vm6 =	vlt.s32 v13, $0x7FF  }
0x8c: {  	p2 =	sne.s32 s21, $0xAB0;
	v13 =	vnsel vm6, $0x7FF, v13  }
.Ltmp3:
0x8d: {  	v11 =	vsub.s32 $0xFFFFF, v11;
	v13 =	vshll.u32 v13, $0x14;
	(pc) =	sbr.rel @p2 .LBB2_8-.Ltmp3, $4  }
0x8e: {  	vm6 =	vgt.s32 v9, v10;
	v11 =	vor.u32 v11, v13  }
0x8f: {  	v9 =	vsel vm6, v9, v10;
	v10 =	vnsel vm5, $0xFFFFFFFF, v11  }
0x90: {  	[tilespmem:s23+$0x0] =	vst v10;
	vm6 =	vgt.s32 v9, v10  }
0x91: {  	s21 =	sadd.s32 $0x20, s21;
	s22 =	sadd.s32 $0x20, s22;
	s23 =	sadd.s32 $0x20, s23;
	[tilespmem:v63+s13+$0x0] =	vst.idx.msk vm5, v7;
	v9 =	vsel vm6, v9, v10  }
0x92: {  	v9 =	vxor.u32 $0x80000000, v9  }
0x93: {  	(xrf0) =	vmax.scan.msk.u32 $0xffff, v9;
	_ =	sdelay $0x5  }
0x94: {  	v9, _, _ =	vpop (xrf0)  }
0x95: {  	(v2sf) =	vpush v9, $0xF;
	_ =	sdelay $0xb  }
0x96: {  	s22 =	simm.s32 $0x12020  }
0x97: {  	v12 =	vld [tilespmem:s22+$0xFFFFFFE0];
	_ =	sdelay $0x1  }
0x98: {  	v10 =	vld [tilespmem:s22+$0xFFFFFFF0];
	s21 =	spop (v2sf)  }
0x99: {  	s21 =	sxor.u32 $0x80000000, s21  }
0x9a: {  	v11 =	vld [tilespmem:s22+$0x0];
	v9 =	vmov s21  }
0x9b: {  	vm5 =	vlt.s32 v12, v9  }
0x9c: {  	v13 =	vimm.s32 $0xFFFFFFFF;
	v14 =	vnsel vm5, $0xFFFFFFFF, v12;
	v12 =	vld [tilespmem:s22+$0x10]  }
0x9d: {  	s21 =	simm.s32 $0x0;
	vm6 =	vlt.s32 v10, v9;
	s22 =	simm.s32 $0x12060;
	vm5 =	vgt.s32 v13, v14  }
.LBB2_10:
0x9e: {  	v15 =	vld [tilespmem:s22+$0xFFFFFFE0];
	s21 =	sadd.s32 $0x4, s21;
	v13 =	vsel vm5, v13, v14;
	v14 =	vnsel vm6, $0xFFFFFFFF, v10  }
0x9f: {  	p2 =	slt.u32 s21, $0xA8;
	vm5 =	vgt.s32 v13, v14;
	vm6 =	vlt.s32 v11, v9  }
0xa0: {  	v10 =	vld [tilespmem:s22+$0xFFFFFFF0];
	v13 =	vsel vm5, v13, v14;
	v14 =	vnsel vm6, $0xFFFFFFFF, v11  }
.Ltmp4:
0xa1: {  	vm5 =	vgt.s32 v13, v14;
	vm6 =	vlt.s32 v12, v9;
	(pc) =	sbr.rel @p2 .LBB2_10-.Ltmp4, $4  }
0xa2: {  	v11 =	vld [tilespmem:s22+$0x0];
	v13 =	vsel vm5, v13, v14;
	v16 =	vnsel vm6, $0xFFFFFFFF, v12  }
0xa3: {  	vm5 =	vlt.s32 v15, v9;
	vm6 =	vgt.s32 v13, v16  }
0xa4: {  	v14 =	vnsel vm5, $0xFFFFFFFF, v15;
	v12 =	vld [tilespmem:s22+$0x10];
	v13 =	vsel vm6, v13, v16  }
0xa5: {  	s22 =	sadd.s32 $0x40, s22;
	vm5 =	vgt.s32 v13, v14;
	vm6 =	vlt.s32 v10, v9  }
0xa6: {  	v13 =	vsel vm5, v13, v14;
	v10 =	vnsel vm6, $0xFFFFFFFF, v10  }
0xa7: {  	vm5 =	vgt.s32 v13, v10;
	vm6 =	vlt.s32 v11, v9  }
0xa8: {  	v10 =	vsel vm5, v13, v10;
	v11 =	vnsel vm6, $0xFFFFFFFF, v11  }
0xa9: {  	vm5 =	vgt.s32 v10, v11;
	vm6 =	vlt.s32 v12, v9  }
0xaa: {  	v10 =	vsel vm5, v10, v11;
	v11 =	vnsel vm6, $0xFFFFFFFF, v12  }
0xab: {  	vm5 =	vgt.s32 v10, v11  }
0xac: {  	v10 =	vsel vm5, v10, v11  }
0xad: {  	v10 =	vxor.u32 $0x80000000, v10  }
0xae: {  	(xrf0) =	vmax.scan.msk.u32 $0xffff, v10;
	_ =	sdelay $0x5  }
0xaf: {  	v10, _, _ =	vpop (xrf0)  }
0xb0: {  	(v2sf) =	vpush v10, $0xF;
	_ =	sdelay $0xb  }
0xb1: {  	s22 =	simm.s32 $0x12020  }
0xb2: {  	v13 =	vld [tilespmem:s22+$0xFFFFFFE0];
	_ =	sdelay $0x1  }
0xb3: {  	v11 =	vld [tilespmem:s22+$0xFFFFFFF0];
	s21 =	spop (v2sf)  }
0xb4: {  	s21 =	sxor.u32 $0x80000000, s21  }
0xb5: {  	v12 =	vld [tilespmem:s22+$0x0];
	v10 =	vmov s21  }
0xb6: {  	vm5 =	vlt.s32 v13, v10  }
0xb7: {  	v14 =	vimm.s32 $0xFFFFFFFF;
	v15 =	vnsel vm5, $0xFFFFFFFF, v13;
	v13 =	vld [tilespmem:s22+$0x10]  }
0xb8: {  	s21 =	simm.s32 $0x0;
	vm6 =	vlt.s32 v11, v10;
	s22 =	simm.s32 $0x12060;
	vm5 =	vgt.s32 v14, v15  }
.LBB2_12:
0xb9: {  	v16 =	vld [tilespmem:s22+$0xFFFFFFE0];
	s21 =	sadd.s32 $0x4, s21;
	v14 =	vsel vm5, v14, v15;
	v15 =	vnsel vm6, $0xFFFFFFFF, v11  }
0xba: {  	p2 =	slt.u32 s21, $0xA8;
	vm5 =	vgt.s32 v14, v15;
	vm6 =	vlt.s32 v12, v10  }
0xbb: {  	v11 =	vld [tilespmem:s22+$0xFFFFFFF0];
	v14 =	vsel vm5, v14, v15;
	v15 =	vnsel vm6, $0xFFFFFFFF, v12  }
.Ltmp5:
0xbc: {  	vm5 =	vgt.s32 v14, v15;
	vm6 =	vlt.s32 v13, v10;
	(pc) =	sbr.rel @p2 .LBB2_12-.Ltmp5, $4  }
0xbd: {  	v12 =	vld [tilespmem:s22+$0x0];
	v14 =	vsel vm5, v14, v15;
	v17 =	vnsel vm6, $0xFFFFFFFF, v13  }
0xbe: {  	vm5 =	vlt.s32 v16, v10;
	vm6 =	vgt.s32 v14, v17  }
0xbf: {  	v15 =	vnsel vm5, $0xFFFFFFFF, v16;
	v13 =	vld [tilespmem:s22+$0x10];
	v14 =	vsel vm6, v14, v17  }
0xc0: {  	s22 =	sadd.s32 $0x40, s22;
	vm5 =	vgt.s32 v14, v15;
	vm6 =	vlt.s32 v11, v10  }
0xc1: {  	v14 =	vsel vm5, v14, v15;
	v11 =	vnsel vm6, $0xFFFFFFFF, v11  }
0xc2: {  	vm5 =	vgt.s32 v14, v11;
	vm6 =	vlt.s32 v12, v10  }
0xc3: {  	v11 =	vsel vm5, v14, v11;
	v12 =	vnsel vm6, $0xFFFFFFFF, v12  }
0xc4: {  	vm5 =	vgt.s32 v11, v12;
	vm6 =	vlt.s32 v13, v10  }
0xc5: {  	v11 =	vsel vm5, v11, v12;
	v12 =	vnsel vm6, $0xFFFFFFFF, v13  }
0xc6: {  	vm5 =	vgt.s32 v11, v12  }
0xc7: {  	v11 =	vsel vm5, v11, v12  }
0xc8: {  	v11 =	vxor.u32 $0x80000000, v11  }
0xc9: {  	(xrf0) =	vmax.scan.msk.u32 $0xffff, v11;
	_ =	sdelay $0x5  }
0xca: {  	v11, _, _ =	vpop (xrf0)  }
0xcb: {  	(v2sf) =	vpush v11, $0xF;
	_ =	sdelay $0xb  }
0xcc: {  	s22 =	simm.s32 $0x12020  }
0xcd: {  	v14 =	vld [tilespmem:s22+$0xFFFFFFE0];
	_ =	sdelay $0x1  }
0xce: {  	v12 =	vld [tilespmem:s22+$0xFFFFFFF0];
	s21 =	spop (v2sf)  }
0xcf: {  	s21 =	sxor.u32 $0x80000000, s21  }
0xd0: {  	v13 =	vld [tilespmem:s22+$0x0];
	v11 =	vmov s21  }
0xd1: {  	vm5 =	vlt.s32 v14, v11  }
0xd2: {  	v15 =	vimm.s32 $0xFFFFFFFF;
	v16 =	vnsel vm5, $0xFFFFFFFF, v14;
	v14 =	vld [tilespmem:s22+$0x10]  }
0xd3: {  	s21 =	simm.s32 $0x0;
	vm6 =	vlt.s32 v12, v11;
	s22 =	simm.s32 $0x12060;
	vm5 =	vgt.s32 v15, v16  }
.LBB2_14:
0xd4: {  	v17 =	vld [tilespmem:s22+$0xFFFFFFE0];
	s21 =	sadd.s32 $0x4, s21;
	v15 =	vsel vm5, v15, v16;
	v16 =	vnsel vm6, $0xFFFFFFFF, v12  }
0xd5: {  	p2 =	slt.u32 s21, $0xA8;
	vm5 =	vgt.s32 v15, v16;
	vm6 =	vlt.s32 v13, v11  }
0xd6: {  	v12 =	vld [tilespmem:s22+$0xFFFFFFF0];
	v15 =	vsel vm5, v15, v16;
	v16 =	vnsel vm6, $0xFFFFFFFF, v13  }
.Ltmp6:
0xd7: {  	vm5 =	vgt.s32 v15, v16;
	vm6 =	vlt.s32 v14, v11;
	(pc) =	sbr.rel @p2 .LBB2_14-.Ltmp6, $4  }
0xd8: {  	v13 =	vld [tilespmem:s22+$0x0];
	v15 =	vsel vm5, v15, v16;
	v18 =	vnsel vm6, $0xFFFFFFFF, v14  }
0xd9: {  	vm5 =	vlt.s32 v17, v11;
	vm6 =	vgt.s32 v15, v18  }
0xda: {  	v16 =	vnsel vm5, $0xFFFFFFFF, v17;
	v14 =	vld [tilespmem:s22+$0x10];
	v15 =	vsel vm6, v15, v18  }
0xdb: {  	s22 =	sadd.s32 $0x40, s22;
	vm5 =	vgt.s32 v15, v16;
	vm6 =	vlt.s32 v12, v11  }
0xdc: {  	v15 =	vsel vm5, v15, v16;
	v12 =	vnsel vm6, $0xFFFFFFFF, v12  }
0xdd: {  	vm5 =	vgt.s32 v15, v12;
	vm6 =	vlt.s32 v13, v11  }
0xde: {  	v12 =	vsel vm5, v15, v12;
	v13 =	vnsel vm6, $0xFFFFFFFF, v13  }
0xdf: {  	vm5 =	vgt.s32 v12, v13;
	vm6 =	vlt.s32 v14, v11  }
0xe0: {  	v12 =	vsel vm5, v12, v13;
	v13 =	vnsel vm6, $0xFFFFFFFF, v14  }
0xe1: {  	vm5 =	vgt.s32 v12, v13  }
0xe2: {  	v12 =	vsel vm5, v12, v13  }
0xe3: {  	v12 =	vxor.u32 $0x80000000, v12  }
0xe4: {  	(xrf0) =	vmax.scan.msk.u32 $0xffff, v12;
	_ =	sdelay $0x5  }
0xe5: {  	v12, _, _ =	vpop (xrf0)  }
0xe6: {  	(v2sf) =	vpush v12, $0xF;
	_ =	sdelay $0xb  }
0xe7: {  	s22 =	simm.s32 $0x12020  }
0xe8: {  	v15 =	vld [tilespmem:s22+$0xFFFFFFE0];
	_ =	sdelay $0x1  }
0xe9: {  	v13 =	vld [tilespmem:s22+$0xFFFFFFF0];
	s21 =	spop (v2sf)  }
0xea: {  	s21 =	sxor.u32 $0x80000000, s21  }
0xeb: {  	v14 =	vld [tilespmem:s22+$0x0];
	v12 =	vmov s21  }
0xec: {  	vm5 =	vlt.s32 v15, v12  }
0xed: {  	v16 =	vimm.s32 $0xFFFFFFFF;
	v17 =	vnsel vm5, $0xFFFFFFFF, v15;
	v15 =	vld [tilespmem:s22+$0x10]  }
0xee: {  	s21 =	simm.s32 $0x0;
	vm6 =	vlt.s32 v13, v12;
	s22 =	simm.s32 $0x12060;
	vm5 =	vgt.s32 v16, v17  }
.LBB2_16:
0xef: {  	v18 =	vld [tilespmem:s22+$0xFFFFFFE0];
	s21 =	sadd.s32 $0x4, s21;
	v16 =	vsel vm5, v16, v17;
	v17 =	vnsel vm6, $0xFFFFFFFF, v13  }
0xf0: {  	p2 =	slt.u32 s21, $0xA8;
	vm5 =	vgt.s32 v16, v17;
	vm6 =	vlt.s32 v14, v12  }
0xf1: {  	v13 =	vld [tilespmem:s22+$0xFFFFFFF0];
	v16 =	vsel vm5, v16, v17;
	v17 =	vnsel vm6, $0xFFFFFFFF, v14  }
.Ltmp7:
0xf2: {  	vm5 =	vgt.s32 v16, v17;
	vm6 =	vlt.s32 v15, v12;
	(pc) =	sbr.rel @p2 .LBB2_16-.Ltmp7, $4  }
0xf3: {  	v14 =	vld [tilespmem:s22+$0x0];
	v16 =	vsel vm5, v16, v17;
	v19 =	vnsel vm6, $0xFFFFFFFF, v15  }
0xf4: {  	vm5 =	vlt.s32 v18, v12;
	vm6 =	vgt.s32 v16, v19  }
0xf5: {  	v17 =	vnsel vm5, $0xFFFFFFFF, v18;
	v15 =	vld [tilespmem:s22+$0x10];
	v16 =	vsel vm6, v16, v19  }
0xf6: {  	s22 =	sadd.s32 $0x40, s22;
	vm5 =	vgt.s32 v16, v17;
	vm6 =	vlt.s32 v13, v12  }
0xf7: {  	v16 =	vsel vm5, v16, v17;
	v13 =	vnsel vm6, $0xFFFFFFFF, v13  }
0xf8: {  	vm5 =	vgt.s32 v16, v13;
	vm6 =	vlt.s32 v14, v12  }
0xf9: {  	v13 =	vsel vm5, v16, v13;
	v14 =	vnsel vm6, $0xFFFFFFFF, v14  }
0xfa: {  	vm5 =	vgt.s32 v13, v14;
	vm6 =	vlt.s32 v15, v12  }
0xfb: {  	v13 =	vsel vm5, v13, v14;
	v63 =	vnsel vm6, $0xFFFFFFFF, v15  }
0xfc: {  	vm5 =	vgt.s32 v13, v63  }
0xfd: {  	v13 =	vsel vm5, v13, v63  }
0xfe: {  	v13 =	vxor.u32 $0x80000000, v13  }
0xff: {  	(xrf0) =	vmax.scan.msk.u32 $0xffff, v13;
	_ =	sdelay $0x5  }
0x100: {  	v13, _, _ =	vpop (xrf0)  }
0x101: {  	(v2sf) =	vpush v13, $0xF;
	_ =	sdelay $0xc  }
0x102: {  	v9 =	vnsel vm0, $0xFFFFFFFF, v9  }
0x103: {  	v9 =	vsel vm1, v9, v10  }
0x104: {  	v9 =	vsel vm2, v9, v11;
	s21 =	spop (v2sf)  }
0x105: {  	v9 =	vsel vm3, v9, v12;
	vm5 =	veq.s32 v0, $0x4;
	s21 =	sxor.u32 $0x80000000, s21  }
0x106: {  	v9 =	vsel vm5, s21, v9  }
0x107: {  	[tilespmem:$0x12B00] =	vst v9  }
0x108: {  	[spmem:s6] =	stream.linear.scatter [tilespmem:s14], [sflag:$0x5], $0x10, $0x38;
	[tilespmem:$0x12D10] =	vst v63  }
0x109: {  	_ =	swait.ge [sflag:s12], $0x10  }
0x10a: {  	[sflag:s12] =	ssyncset.done $0x0  }
0x10b: {  	[sflag:s12] =	ssyncadd.s32 $0xFFFFFFF0  }
0x10c: {  	[sflag:s15] =	ssyncset.done $0x0  }
0x10d: {  	[smem:s4], [sflag:$0x1] =	smem.add.s32 $0x1  }
0x10e: {  	_ =	swait.done [sflag:s15]  }
0x10f: {  	[sflag:s15] =	ssyncset.s32 $0x0  }
0x110: {  	[sflag:s15] =	ssyncset.done $0x0  }
.LBB2_18:
0x111: {  	[sflag:s16] =	ssyncset.done $0x0  }
0x112: {  	[smem:s4], [sflag:$0x2] =	smem.add.s32 $0x0  }
0x113: {  	_ =	swait.done [sflag:s16]  }
0x114: {  	s21 =	ssyncread [sflag:$0x2];
	_ =	sdelay $0x2  }
0x115: {  	p2 =	slt.s32 s21, $0x10  }
.Ltmp8:
0x116: {  	_ = 	snop;
	(pc) =	sbr.rel @p2 .LBB2_18-.Ltmp8, $3  }
0x117: {  	_ =	sdelay $0x1  }
0x118: {  	[sflag:s16] =	ssyncset.s32 $0x0  }
0x119: {  	[sflag:s16] =	ssyncset.done $0x0  }
0x11a: {  	s21 =	simm.s32 @p0 $0x0;
	s22 =	simm.s32 @p0 $0x9A20  }
0x11b: {  	[hbm4b:s8+s21] =	stream.linear.scatter @p0 [tilespmem:s22], [sflag:$0x5], $0x7860, $0x38;
	[tilespmem:$0x12D10] =	vst v63  }
0x11c: {  	s21 =	simm.s32 @p0 $0x5  }
0x11d: {  	_ =	swait.ge @p0 [sflag:s21], $0x7860  }
0x11e: {  	[sflag:s21] =	ssyncset.done @p0 $0x0  }
0x11f: {  	[sflag:s21] =	ssyncadd.s32 @p0 $0xFFFF87A0;
	s21 =	simm.s32 @!p0 $0x0  }
0x120: {  	[hbm4b:s7+s21] =	stream.linear.scatter @!p0 [tilespmem:s5], [sflag:$0x5], $0x7A20, $0x38;
	[tilespmem:$0x12D10] =	vst v63  }
0x121: {  	s21 =	simm.s32 @!p0 $0x5  }
0x122: {  	_ =	swait.ge @!p0 [sflag:s21], $0x7A20  }
0x123: {  	[sflag:s21] =	ssyncset.done @!p0 $0x0  }
0x124: {  	[sflag:s21] =	ssyncadd.s32 @!p0 $0xFFFF85E0  }
0x125: {  	[sflag:s17] =	ssyncset.done $0x0  }
0x126: {  	[smem:s15], [sflag:$0x3] =	smem.add.s32 $0x1  }
0x127: {  	_ =	swait.done [sflag:s17]  }
0x128: {  	[sflag:s17] =	ssyncset.s32 $0x0  }
0x129: {  	[sflag:s17] =	ssyncset.done $0x0  }
.LBB2_20:
0x12a: {  	[sflag:s18] =	ssyncset.done $0x0  }
0x12b: {  	[smem:s15], [sflag:$0x4] =	smem.add.s32 $0x0  }
0x12c: {  	_ =	swait.done [sflag:s18]  }
0x12d: {  	s21 =	ssyncread [sflag:$0x4];
	_ =	sdelay $0x2  }
0x12e: {  	p2 =	slt.s32 s21, $0x10  }
.Ltmp9:
0x12f: {  	_ = 	snop;
	(pc) =	sbr.rel @p2 .LBB2_20-.Ltmp9, $3  }
0x130: {  	_ =	sdelay $0x1  }
0x131: {  	[sflag:s18] =	ssyncset.s32 $0x0  }
0x132: {  	[sflag:s18] =	ssyncset.done $0x0  }
0x133: {  	[tilespmem:s19], [sflag:$0x5] =	stream.linear.gather [spmem:s3], $0x100, $0x38;
	[tilespmem:$0x12D10] =	vst v63  }
0x134: {  	_ =	swait.ge [sflag:s12], $0x100  }
0x135: {  	[sflag:s12] =	ssyncset.done $0x0  }
0x136: {  	[sflag:s12] =	ssyncadd.s32 $0xFFFFFF00  }
0x137: {  	v17 =	vld [tilespmem:$0x12B80];
	_ =	sdelay $0x2  }
0x138: {  	v13 =	vld [tilespmem:$0x12B90]  }
0x139: {  	v10 =	vld [tilespmem:$0x12BA0]  }
0x13a: {  	v9 =	vshra.s32 v17, $0x1F  }
0x13b: {  	v11 =	vld [tilespmem:$0x12BB0];
	vm5 =	veq.s32 v17, $0x7FFFFFFF;
	v22 =	vor.u32 v9, v17  }
0x13c: {  	v12 =	vsel vm5, $0xFFFFFFFF, v22  }
0x13d: {  	v9 =	vld [tilespmem:$0x12BC0];
	vm5 =	vgt.s32 v12, v13  }
0x13e: {  	vm6 =	veq.s32 v13, $0x7FFFFFFF;
	v14 =	vsel vm5, v12, v13;
	vm5 =	veq.s32 v10, $0x7FFFFFFF  }
0x13f: {  	v14 =	vsel vm6, v12, v14;
	v15 =	vsel vm5, $0xFFFFFFFF, v10;
	v12 =	vld [tilespmem:$0x12BD0]  }
0x140: {  	vm6 =	veq.s32 v11, $0x7FFFFFFF;
	vm5 =	vgt.s32 v14, v15  }
0x141: {  	v16 =	vsel vm6, $0xFFFFFFFF, v11;
	v15 =	vsel vm5, v14, v15;
	v14 =	vld [tilespmem:$0x12BE0]  }
0x142: {  	vm6 =	veq.s32 v9, $0x7FFFFFFF;
	vm5 =	vgt.s32 v15, v16  }
0x143: {  	v18 =	vsel vm6, $0xFFFFFFFF, v9;
	v16 =	vsel vm5, v15, v16;
	v15 =	vld [tilespmem:$0x12BF0]  }
0x144: {  	vm5 =	vgt.s32 v16, v18;
	vm6 =	veq.s32 v12, $0x7FFFFFFF  }
0x145: {  	v18 =	vsel vm5, v16, v18;
	v19 =	vsel vm6, $0xFFFFFFFF, v12;
	v16 =	vld [tilespmem:$0x12C00]  }
0x146: {  	vm5 =	vgt.s32 v18, v19;
	vm6 =	veq.s32 v14, $0x7FFFFFFF  }
0x147: {  	v19 =	vsel vm5, v18, v19;
	v20 =	vsel vm6, $0xFFFFFFFF, v14;
	v18 =	vld [tilespmem:$0x12C10]  }
0x148: {  	vm5 =	vgt.s32 v19, v20;
	vm6 =	veq.s32 v15, $0x7FFFFFFF  }
0x149: {  	v20 =	vsel vm5, v19, v20;
	v21 =	vsel vm6, $0xFFFFFFFF, v15;
	v19 =	vld [tilespmem:$0x12C20]  }
0x14a: {  	vm5 =	vgt.s32 v20, v21;
	vm6 =	veq.s32 v16, $0x7FFFFFFF  }
0x14b: {  	v21 =	vsel vm5, v20, v21;
	v23 =	vsel vm6, $0xFFFFFFFF, v16;
	v20 =	vld [tilespmem:$0x12C30]  }
0x14c: {  	vm5 =	vgt.s32 v21, v23;
	vm6 =	veq.s32 v18, $0x7FFFFFFF  }
0x14d: {  	v23 =	vsel vm5, v21, v23;
	v24 =	vsel vm6, $0xFFFFFFFF, v18;
	v21 =	vld [tilespmem:$0x12C40]  }
0x14e: {  	vm5 =	vgt.s32 v23, v24;
	vm6 =	veq.s32 v19, $0x7FFFFFFF  }
0x14f: {  	v24 =	vsel vm5, v23, v24;
	v25 =	vsel vm6, $0xFFFFFFFF, v19;
	v23 =	vld [tilespmem:$0x12C50]  }
0x150: {  	vm5 =	vgt.s32 v24, v25;
	vm6 =	veq.s32 v20, $0x7FFFFFFF  }
0x151: {  	v25 =	vsel vm5, v24, v25;
	v26 =	vsel vm6, $0xFFFFFFFF, v20;
	v24 =	vld [tilespmem:$0x12C60]  }
0x152: {  	vm5 =	vgt.s32 v25, v26;
	vm6 =	veq.s32 v21, $0x7FFFFFFF  }
0x153: {  	v26 =	vsel vm5, v25, v26;
	v27 =	vsel vm6, $0xFFFFFFFF, v21;
	v25 =	vld [tilespmem:$0x12C70]  }
0x154: {  	vm5 =	vgt.s32 v26, v27;
	vm6 =	veq.s32 v23, $0x7FFFFFFF  }
0x155: {  	v26 =	vsel vm5, v26, v27;
	v47 =	vsel vm6, $0xFFFFFFFF, v23  }
0x156: {  	vm5 =	vgt.s32 v26, v47;
	vm6 =	veq.s32 v24, $0x7FFFFFFF  }
0x157: {  	v26 =	vsel vm5, v26, v47;
	v48 =	vsel vm6, $0xFFFFFFFF, v24  }
0x158: {  	vm5 =	vgt.s32 v26, v48;
	vm6 =	veq.s32 v25, $0x7FFFFFFF  }
0x159: {  	v26 =	vsel vm5, v26, v48;
	v49 =	vsel vm6, $0xFFFFFFFF, v25  }
0x15a: {  	vm5 =	vgt.s32 v26, v49  }
0x15b: {  	v26 =	vsel vm5, v26, v49  }
0x15c: {  	v26 =	vxor.u32 $0x80000000, v26  }
0x15d: {  	(xrf0) =	vmax.scan.msk.u32 $0xffff, v26;
	_ =	sdelay $0x5  }
0x15e: {  	v26, _, _ =	vpop (xrf0)  }
0x15f: {  	(v2sf) =	vpush v26, $0xF;
	_ =	sdelay $0xe  }
0x160: {  	s21 =	spop (v2sf)  }
0x161: {  	s21 =	sxor.u32 $0x80000000, s21  }
0x162: {  	vm5 =	vlt.s32 v17, s21  }
0x163: {  	v50 =	vnsel vm5, $0xFFFFFFFF, v22  }
0x164: {  	vm5 =	vgt.s32 v50, v13  }
0x165: {  	vm6 =	vlt.s32 v13, s21;
	v51 =	vsel vm5, v50, v13;
	vm5 =	vlt.s32 v10, s21  }
0x166: {  	v26 =	vsel vm6, v51, v50;
	v52 =	vnsel vm5, $0xFFFFFFFF, v10  }
0x167: {  	vm6 =	vlt.s32 v11, s21;
	vm5 =	vgt.s32 v26, v52  }
0x168: {  	v53 =	vnsel vm6, $0xFFFFFFFF, v11;
	v26 =	vsel vm5, v26, v52  }
0x169: {  	vm6 =	vlt.s32 v9, s21;
	vm5 =	vgt.s32 v26, v53  }
0x16a: {  	v54 =	vnsel vm6, $0xFFFFFFFF, v9;
	v26 =	vsel vm5, v26, v53  }
0x16b: {  	vm6 =	vlt.s32 v12, s21;
	vm5 =	vgt.s32 v26, v54  }
0x16c: {  	v55 =	vnsel vm6, $0xFFFFFFFF, v12;
	v26 =	vsel vm5, v26, v54  }
0x16d: {  	vm6 =	vlt.s32 v14, s21;
	vm5 =	vgt.s32 v26, v55  }
0x16e: {  	v56 =	vnsel vm6, $0xFFFFFFFF, v14;
	v26 =	vsel vm5, v26, v55  }
0x16f: {  	vm6 =	vlt.s32 v15, s21;
	vm5 =	vgt.s32 v26, v56  }
0x170: {  	v57 =	vnsel vm6, $0xFFFFFFFF, v15;
	v26 =	vsel vm5, v26, v56  }
0x171: {  	vm6 =	vlt.s32 v16, s21;
	vm5 =	vgt.s32 v26, v57  }
0x172: {  	v58 =	vnsel vm6, $0xFFFFFFFF, v16;
	v26 =	vsel vm5, v26, v57  }
0x173: {  	vm6 =	vlt.s32 v18, s21;
	vm5 =	vgt.s32 v26, v58  }
0x174: {  	v59 =	vnsel vm6, $0xFFFFFFFF, v18;
	v26 =	vsel vm5, v26, v58  }
0x175: {  	vm6 =	vlt.s32 v19, s21;
	vm5 =	vgt.s32 v26, v59  }
0x176: {  	v60 =	vnsel vm6, $0xFFFFFFFF, v19;
	v26 =	vsel vm5, v26, v59  }
0x177: {  	vm6 =	vlt.s32 v20, s21;
	vm5 =	vgt.s32 v26, v60  }
0x178: {  	v61 =	vnsel vm6, $0xFFFFFFFF, v20;
	v26 =	vsel vm5, v26, v60  }
0x179: {  	vm6 =	vlt.s32 v21, s21;
	vm5 =	vgt.s32 v26, v61  }
0x17a: {  	v62 =	vnsel vm6, $0xFFFFFFFF, v21;
	v26 =	vsel vm5, v26, v61  }
0x17b: {  	vm6 =	vlt.s32 v23, s21;
	vm5 =	vgt.s32 v26, v62  }
0x17c: {  	v63 =	vnsel vm6, $0xFFFFFFFF, v23;
	v26 =	vsel vm5, v26, v62  }
0x17d: {  	vm6 =	vlt.s32 v24, s21;
	vm5 =	vgt.s32 v26, v63  }
0x17e: {  	v30 =	vnsel vm6, $0xFFFFFFFF, v24;
	v26 =	vsel vm5, v26, v63  }
0x17f: {  	vm6 =	vlt.s32 v25, s21;
	vm5 =	vgt.s32 v26, v30  }
0x180: {  	v31 =	vnsel vm6, $0xFFFFFFFF, v25;
	v26 =	vsel vm5, v26, v30  }
0x181: {  	vm5 =	vgt.s32 v26, v31  }
0x182: {  	v26 =	vsel vm5, v26, v31  }
0x183: {  	v26 =	vxor.u32 $0x80000000, v26  }
0x184: {  	(xrf0) =	vmax.scan.msk.u32 $0xffff, v26;
	_ =	sdelay $0x5  }
0x185: {  	v26, _, _ =	vpop (xrf0)  }
0x186: {  	(v2sf) =	vpush v26, $0xF;
	_ =	sdelay $0xe  }
0x187: {  	s22 =	spop (v2sf)  }
0x188: {  	s22 =	sxor.u32 $0x80000000, s22  }
0x189: {  	vm5 =	vlt.s32 v17, s22  }
0x18a: {  	v32 =	vnsel vm5, $0xFFFFFFFF, v22  }
0x18b: {  	vm5 =	vgt.s32 v32, v13  }
0x18c: {  	vm6 =	vlt.s32 v13, s22;
	v33 =	vsel vm5, v32, v13;
	vm5 =	vlt.s32 v10, s22  }
0x18d: {  	v26 =	vsel vm6, v33, v32;
	v34 =	vnsel vm5, $0xFFFFFFFF, v10  }
0x18e: {  	vm6 =	vlt.s32 v11, s22;
	vm5 =	vgt.s32 v26, v34  }
0x18f: {  	v35 =	vnsel vm6, $0xFFFFFFFF, v11;
	v26 =	vsel vm5, v26, v34  }
0x190: {  	vm6 =	vlt.s32 v9, s22;
	vm5 =	vgt.s32 v26, v35  }
0x191: {  	v36 =	vnsel vm6, $0xFFFFFFFF, v9;
	v26 =	vsel vm5, v26, v35  }
0x192: {  	vm6 =	vlt.s32 v12, s22;
	vm5 =	vgt.s32 v26, v36  }
0x193: {  	v37 =	vnsel vm6, $0xFFFFFFFF, v12;
	v26 =	vsel vm5, v26, v36  }
0x194: {  	vm6 =	vlt.s32 v14, s22;
	vm5 =	vgt.s32 v26, v37  }
0x195: {  	v38 =	vnsel vm6, $0xFFFFFFFF, v14;
	v26 =	vsel vm5, v26, v37  }
0x196: {  	vm6 =	vlt.s32 v15, s22;
	vm5 =	vgt.s32 v26, v38  }
0x197: {  	v39 =	vnsel vm6, $0xFFFFFFFF, v15;
	v26 =	vsel vm5, v26, v38  }
0x198: {  	vm6 =	vlt.s32 v16, s22;
	vm5 =	vgt.s32 v26, v39  }
0x199: {  	v40 =	vnsel vm6, $0xFFFFFFFF, v16;
	v26 =	vsel vm5, v26, v39  }
0x19a: {  	vm6 =	vlt.s32 v18, s22;
	vm5 =	vgt.s32 v26, v40  }
0x19b: {  	v41 =	vnsel vm6, $0xFFFFFFFF, v18;
	v26 =	vsel vm5, v26, v40  }
0x19c: {  	vm6 =	vlt.s32 v19, s22;
	vm5 =	vgt.s32 v26, v41  }
0x19d: {  	v42 =	vnsel vm6, $0xFFFFFFFF, v19;
	v26 =	vsel vm5, v26, v41  }
0x19e: {  	vm6 =	vlt.s32 v20, s22;
	vm5 =	vgt.s32 v26, v42  }
0x19f: {  	v43 =	vnsel vm6, $0xFFFFFFFF, v20;
	v26 =	vsel vm5, v26, v42  }
0x1a0: {  	vm6 =	vlt.s32 v21, s22;
	vm5 =	vgt.s32 v26, v43  }
0x1a1: {  	v44 =	vnsel vm6, $0xFFFFFFFF, v21;
	v26 =	vsel vm5, v26, v43  }
0x1a2: {  	vm6 =	vlt.s32 v23, s22;
	vm5 =	vgt.s32 v26, v44  }
0x1a3: {  	v45 =	vnsel vm6, $0xFFFFFFFF, v23;
	v26 =	vsel vm5, v26, v44  }
0x1a4: {  	vm6 =	vlt.s32 v24, s22;
	vm5 =	vgt.s32 v26, v45  }
0x1a5: {  	v46 =	vnsel vm6, $0xFFFFFFFF, v24;
	v26 =	vsel vm5, v26, v45  }
0x1a6: {  	vm6 =	vlt.s32 v25, s22;
	vm5 =	vgt.s32 v26, v46  }
0x1a7: {  	v47 =	vnsel vm6, $0xFFFFFFFF, v25;
	v26 =	vsel vm5, v26, v46  }
0x1a8: {  	vm5 =	vgt.s32 v26, v47  }
0x1a9: {  	v26 =	vsel vm5, v26, v47  }
0x1aa: {  	v26 =	vxor.u32 $0x80000000, v26  }
0x1ab: {  	(xrf0) =	vmax.scan.msk.u32 $0xffff, v26;
	_ =	sdelay $0x5  }
0x1ac: {  	v26, _, _ =	vpop (xrf0)  }
0x1ad: {  	(v2sf) =	vpush v26, $0xF;
	_ =	sdelay $0xe  }
0x1ae: {  	s23 =	spop (v2sf)  }
0x1af: {  	s23 =	sxor.u32 $0x80000000, s23  }
0x1b0: {  	vm5 =	vlt.s32 v17, s23  }
0x1b1: {  	v48 =	vnsel vm5, $0xFFFFFFFF, v22  }
0x1b2: {  	vm5 =	vgt.s32 v48, v13  }
0x1b3: {  	vm6 =	vlt.s32 v13, s23;
	v49 =	vsel vm5, v48, v13;
	vm5 =	vlt.s32 v10, s23  }
0x1b4: {  	v26 =	vsel vm6, v49, v48;
	v50 =	vnsel vm5, $0xFFFFFFFF, v10  }
0x1b5: {  	vm6 =	vlt.s32 v11, s23;
	vm5 =	vgt.s32 v26, v50  }
0x1b6: {  	v51 =	vnsel vm6, $0xFFFFFFFF, v11;
	v26 =	vsel vm5, v26, v50  }
0x1b7: {  	vm6 =	vlt.s32 v9, s23;
	vm5 =	vgt.s32 v26, v51  }
0x1b8: {  	v52 =	vnsel vm6, $0xFFFFFFFF, v9;
	v26 =	vsel vm5, v26, v51  }
0x1b9: {  	vm6 =	vlt.s32 v12, s23;
	vm5 =	vgt.s32 v26, v52  }
0x1ba: {  	v53 =	vnsel vm6, $0xFFFFFFFF, v12;
	v26 =	vsel vm5, v26, v52  }
0x1bb: {  	vm6 =	vlt.s32 v14, s23;
	vm5 =	vgt.s32 v26, v53  }
0x1bc: {  	v54 =	vnsel vm6, $0xFFFFFFFF, v14;
	v26 =	vsel vm5, v26, v53  }
0x1bd: {  	vm6 =	vlt.s32 v15, s23;
	vm5 =	vgt.s32 v26, v54  }
0x1be: {  	v55 =	vnsel vm6, $0xFFFFFFFF, v15;
	v26 =	vsel vm5, v26, v54  }
0x1bf: {  	vm6 =	vlt.s32 v16, s23;
	vm5 =	vgt.s32 v26, v55  }
0x1c0: {  	v56 =	vnsel vm6, $0xFFFFFFFF, v16;
	v26 =	vsel vm5, v26, v55  }
0x1c1: {  	vm6 =	vlt.s32 v18, s23;
	vm5 =	vgt.s32 v26, v56  }
0x1c2: {  	v57 =	vnsel vm6, $0xFFFFFFFF, v18;
	v26 =	vsel vm5, v26, v56  }
0x1c3: {  	vm6 =	vlt.s32 v19, s23;
	vm5 =	vgt.s32 v26, v57  }
0x1c4: {  	v58 =	vnsel vm6, $0xFFFFFFFF, v19;
	v26 =	vsel vm5, v26, v57  }
0x1c5: {  	vm6 =	vlt.s32 v20, s23;
	vm5 =	vgt.s32 v26, v58  }
0x1c6: {  	v59 =	vnsel vm6, $0xFFFFFFFF, v20;
	v26 =	vsel vm5, v26, v58  }
0x1c7: {  	vm6 =	vlt.s32 v21, s23;
	vm5 =	vgt.s32 v26, v59  }
0x1c8: {  	v60 =	vnsel vm6, $0xFFFFFFFF, v21;
	v26 =	vsel vm5, v26, v59  }
0x1c9: {  	vm6 =	vlt.s32 v23, s23;
	vm5 =	vgt.s32 v26, v60  }
0x1ca: {  	v61 =	vnsel vm6, $0xFFFFFFFF, v23;
	v26 =	vsel vm5, v26, v60  }
0x1cb: {  	vm6 =	vlt.s32 v24, s23;
	vm5 =	vgt.s32 v26, v61  }
0x1cc: {  	v62 =	vnsel vm6, $0xFFFFFFFF, v24;
	v26 =	vsel vm5, v26, v61  }
0x1cd: {  	vm6 =	vlt.s32 v25, s23;
	vm5 =	vgt.s32 v26, v62  }
0x1ce: {  	v63 =	vnsel vm6, $0xFFFFFFFF, v25;
	v26 =	vsel vm5, v26, v62  }
0x1cf: {  	vm5 =	vgt.s32 v26, v63  }
0x1d0: {  	v26 =	vsel vm5, v26, v63  }
0x1d1: {  	v26 =	vxor.u32 $0x80000000, v26  }
0x1d2: {  	(xrf0) =	vmax.scan.msk.u32 $0xffff, v26;
	_ =	sdelay $0x5  }
0x1d3: {  	v26, _, _ =	vpop (xrf0)  }
0x1d4: {  	(v2sf) =	vpush v26, $0xF;
	_ =	sdelay $0xe  }
0x1d5: {  	s24 =	spop (v2sf)  }
0x1d6: {  	s24 =	sxor.u32 $0x80000000, s24  }
0x1d7: {  	vm5 =	vlt.s32 v17, s24  }
0x1d8: {  	v17 =	vnsel vm5, $0xFFFFFFFF, v22  }
0x1d9: {  	vm5 =	vgt.s32 v17, v13  }
0x1da: {  	vm6 =	vlt.s32 v13, s24;
	v13 =	vsel vm5, v17, v13;
	vm5 =	vlt.s32 v10, s24  }
0x1db: {  	v13 =	vsel vm6, v13, v17;
	v10 =	vnsel vm5, $0xFFFFFFFF, v10  }
0x1dc: {  	vm6 =	vlt.s32 v11, s24;
	vm5 =	vgt.s32 v13, v10  }
0x1dd: {  	v11 =	vnsel vm6, $0xFFFFFFFF, v11;
	v10 =	vsel vm5, v13, v10  }
0x1de: {  	vm6 =	vlt.s32 v9, s24;
	vm5 =	vgt.s32 v10, v11  }
0x1df: {  	v9 =	vnsel vm6, $0xFFFFFFFF, v9;
	v10 =	vsel vm5, v10, v11  }
0x1e0: {  	vm6 =	vlt.s32 v12, s24;
	vm5 =	vgt.s32 v10, v9  }
0x1e1: {  	v9 =	vsel vm5, v10, v9;
	v10 =	vnsel vm6, $0xFFFFFFFF, v12  }
0x1e2: {  	vm6 =	vlt.s32 v14, s24;
	vm5 =	vgt.s32 v9, v10  }
0x1e3: {  	v9 =	vsel vm5, v9, v10;
	v10 =	vnsel vm6, $0xFFFFFFFF, v14  }
0x1e4: {  	vm6 =	vlt.s32 v15, s24;
	vm5 =	vgt.s32 v9, v10  }
0x1e5: {  	v9 =	vsel vm5, v9, v10;
	v10 =	vnsel vm6, $0xFFFFFFFF, v15  }
0x1e6: {  	vm6 =	vlt.s32 v16, s24;
	vm5 =	vgt.s32 v9, v10  }
0x1e7: {  	v9 =	vsel vm5, v9, v10;
	v10 =	vnsel vm6, $0xFFFFFFFF, v16  }
0x1e8: {  	vm6 =	vlt.s32 v18, s24;
	vm5 =	vgt.s32 v9, v10  }
0x1e9: {  	v9 =	vsel vm5, v9, v10;
	v10 =	vnsel vm6, $0xFFFFFFFF, v18  }
0x1ea: {  	vm6 =	vlt.s32 v19, s24;
	vm5 =	vgt.s32 v9, v10  }
0x1eb: {  	v9 =	vsel vm5, v9, v10;
	v10 =	vnsel vm6, $0xFFFFFFFF, v19  }
0x1ec: {  	vm6 =	vlt.s32 v20, s24;
	vm5 =	vgt.s32 v9, v10  }
0x1ed: {  	v9 =	vsel vm5, v9, v10;
	v10 =	vnsel vm6, $0xFFFFFFFF, v20  }
0x1ee: {  	vm6 =	vlt.s32 v21, s24;
	vm5 =	vgt.s32 v9, v10  }
0x1ef: {  	v9 =	vsel vm5, v9, v10;
	v10 =	vnsel vm6, $0xFFFFFFFF, v21  }
0x1f0: {  	vm6 =	vlt.s32 v23, s24;
	vm5 =	vgt.s32 v9, v10  }
0x1f1: {  	v9 =	vsel vm5, v9, v10;
	v10 =	vnsel vm6, $0xFFFFFFFF, v23  }
0x1f2: {  	vm6 =	vlt.s32 v24, s24;
	vm5 =	vgt.s32 v9, v10  }
0x1f3: {  	v9 =	vsel vm5, v9, v10;
	v10 =	vnsel vm6, $0xFFFFFFFF, v24  }
0x1f4: {  	vm6 =	vlt.s32 v25, s24;
	vm5 =	vgt.s32 v9, v10  }
0x1f5: {  	v9 =	vsel vm5, v9, v10;
	v10 =	vnsel vm6, $0xFFFFFFFF, v25  }
0x1f6: {  	vm5 =	vgt.s32 v9, v10  }
0x1f7: {  	v9 =	vsel vm5, v9, v10  }
0x1f8: {  	v9 =	vxor.u32 $0x80000000, v9  }
0x1f9: {  	(xrf0) =	vmax.scan.msk.u32 $0xffff, v9;
	_ =	sdelay $0x5  }
0x1fa: {  	v9, _, _ =	vpop (xrf0)  }
0x1fb: {  	(v2sf) =	vpush v9, $0xF;
	_ =	sdelay $0xb  }
0x1fc: {  	v9 =	vmov s21  }
0x1fd: {  	v9 =	vnsel vm0, $0xFFFFFFFF, v9  }
0x1fe: {  	v9 =	vsel vm4, s22, v9  }
0x1ff: {  	v9 =	vnsel vm2, s23, v9;
	s30 =	spop (v2sf)  }
0x200: {  	vm5 =	veq.s32 v0, $0x4;
	v9 =	vnsel vm3, s24, v9;
	s21 =	sxor.u32 $0x80000000, s30  }
0x201: {  	v9 =	vsel vm5, s21, v9  }
0x202: {  	v10 =	vand.u32 $0xFFFFF, v9  }
0x203: {  	v11 =	vxor.u32 $0xFFFFF, v10  }
0x204: {  	vm5 =	vgt.s32 v9, $0x0;
	vm6 =	vge.u32 v11, v2  }
0x205: {  	vm5 =	vmand vm5, vm6;
	vm6 =	vlt.u32 v11, v3  }
0x206: {  	vm5 =	vmand vm6, vm5  }
0x207: {  	v9 =	vsel vm5, $0x3F800000, v8  }
0x208: {  	(xrf0) =	vmax.scan.msk.f32 $0xffff, v9;
	_ =	sdelay $0x5  }
0x209: {  	v9, _, _ =	vpop (xrf0)  }
0x20a: {  	(v2sf) =	vpush v9, $0xF;
	_ =	sdelay $0xe  }
0x20b: {  	s31 =	spop (v2sf)  }
0x20c: {  	p2 =	sgt.f32 s31, $0.0e+00;
	_ =	sdelay $0x1  }
0x20d: {  	v9 =	vxor.u32 @p2 $0x800FFFFF, v10  }
0x20e: {  	v9 =	vnsel @p2 vm5, $0x7FFFFFFF, v9  }
0x20f: {  	(xrf0) =	vmax.scan.msk.u32 @p2 $0xffff, v9;
	_ =	sdelay $0x5  }
0x210: {  	v9, _, _ =	vpop @p2 (xrf0)  }
0x211: {  	(v2sf) =	vpush @p2 v9, $0xF;
	_ =	sdelay $0xe  }
0x212: {  	s21 =	spop @p2 (v2sf)  }
0x213: {  	s21 =	sxor.u32 @p2 $0x80000000, s21  }
0x214: {  	v9 =	vnsel @p2 vm5, s21, v11;
	_ =	sdelay $0x2  }
0x215: {  	s20 =	sadd.s32 $0x1, s20;
	v10 =	vimm.f32 @p2 $1.799999950e+00  }
0x216: {  	p3 =	sne.s32 s20, s9;
	s22 =	simm.s32 @p2 $0x12C80;
	[tilespmem:$0x12C80] =	vst @p2 v10;
	vm5 =	vmmov @p2 $0xffff;
	s21 =	simm.s32 @p2 $0x0  }
0x217: {  	[hbm4b:s2+s21] =	stream.indirect_vreg.scatter @p2 [tilespmem:s22], [sflag:$0x5], $0x1, v9, vm5, $0xb8;
	[tilespmem:$0x12D10] =	vst v63  }
.Ltmp10:
0x218: {  	_ = 	snop;
	(pc) =	sbr.rel @p3 .LBB2_1-.Ltmp10, $4  }
0x219: {  	s21 =	simm.s32 @p2 $0x5  }
0x21a: {  	_ =	swait.ge @p2 [sflag:s21], $0x10  }
0x21b: {  	[sflag:s21] =	ssyncset.done @p2 $0x0  }
0x21c: {  	[sflag:s21] =	ssyncadd.s32 @p2 $0xFFFFFFF0  }
0x21d: {  	_ =	sfence.sel $0x180000  }
0x21e: {  	[bflag:$0x0] =	sbarrier.arrive $0xFFFF  }
0x21f: {  	_ =	strace $0x90000047  }
0x220: {  	s0 =	sadd.s32 @!p1 $0x100000, s0;
	[bflag:$0x2] =	sbarrier.arrive $0xFFFF  }
0x221: {  	[sflag:s0] =	ssyncadd.tile.s32 @!p1 $0x1;
	_ =	shalt  }
.Lfunc_end2:
_tile_overlayer_lowered:
.L_overlay_start_2:
0x222: {  	(tag) =	ssettag $0x2  }
0x223: {  	s0 =	rddreg [dreg:$0x0];
	s2 =	stileid.u32  }
0x224: {  	s1 =	rddreg [dreg:$0x1];
	p0 =	sne.s32 s2, $0x0  }
0x225: {  	s3 =	rddreg [dreg:$0x2];
	[bflag:$0x3] =	sbarrier.arrive $0xFFFF;
	s2 =	simm.s32 @!p0 $0x1C01  }
0x226: {  	[timem:s3], [sflag:s2] =	dma.local @!p0 [hbm:s0], s1  }
0x227: {  	s0 =	simm.s32 @!p0 $0x1  }
0x228: {  	_ =	swait.ge @!p0 [sflag:s0], s1  }
0x229: {  	s1 =	ssub.s32 @!p0 $0x0, s1;
	[sflag:s0] =	ssyncset.done @!p0 $0x0  }
0x22a: {  	[sflag:s0] =	ssyncadd.s32 @!p0 s1  }
0x22b: {  	[bflag:$0x3] =	sbarrier.arrive $0xFFFF  }
0x22c: {  	_ =	shalt  }

</sc_bundles>
